<compile_context>
chip_gen: v7x
topology: tpu7x:2x2x1
jax: 0.10.2.dev20260603
libtpu: 0.0.44.dev20260713+nightly
codegen_flags: <defaults>
</compile_context>

<pallas_src>
import functools

import jax
import jax.numpy as jnp
from jax import lax
from jax.experimental import pallas as pl
from jax.experimental.pallas import tpu as pltpu
from jax.experimental.pallas import tpu_sc as plsc

N_NODES = 10000
N_PAD = 10240
E_EDGES = 320000
E_PAD = 327680
PAD_NODE = 10200
NC, NS = 2, 16
RPT = N_PAD // NS
CHUNK = 128
NCH = E_PAD // (NC * NS * CHUNK)
BLK = 512
GRID = N_PAD // BLK

_mesh = plsc.VectorSubcoreMesh(core_axis_name="c", subcore_axis_name="s")


@functools.partial(
    pl.kernel,
    mesh=_mesh,
    out_type=jax.ShapeDtypeStruct((NC * N_PAD, 128), jnp.float32),
    scratch_types=[
        pltpu.VMEM((NCH, CHUNK), jnp.int32),
        pltpu.VMEM((CHUNK, 128), jnp.float32),
        pltpu.VMEM_SHARED((N_PAD, 128), jnp.float32),
    ],
)
def _deg_kernel(dst_hbm, ones_hbm, zero_hbm, deg_out, idx_v, ones_v, deg_sh):
    c = lax.axis_index("c")
    s = lax.axis_index("s")
    w = c * NS + s
    pltpu.sync_copy(dst_hbm.at[w], idx_v)
    pltpu.sync_copy(ones_hbm, ones_v)
    pltpu.sync_copy(zero_hbm, deg_sh.at[pl.ds(s * RPT, RPT)])
    plsc.subcore_barrier()

    def body(j, carry):
        pltpu.sync_copy(ones_v, deg_sh.at[idx_v.at[j]], add=True)
        return carry

    lax.fori_loop(0, NCH, body, 0)
    plsc.subcore_barrier()
    pltpu.sync_copy(deg_sh.at[pl.ds(s * RPT, RPT)],
                    deg_out.at[pl.ds(c * N_PAD + s * RPT, RPT)])


@functools.partial(
    pl.kernel,
    mesh=_mesh,
    out_type=jax.ShapeDtypeStruct((NC * N_PAD, 128), jnp.float32),
    scratch_types=[
        pltpu.VMEM((NCH, CHUNK), jnp.int32),
        pltpu.VMEM((NCH, CHUNK), jnp.int32),
        pltpu.VMEM((CHUNK, 128), jnp.float32),
        pltpu.VMEM_SHARED((N_PAD, 128), jnp.float32),
        pltpu.SemaphoreType.DMA,
    ],
)
def _prop(g_hbm, zero_hbm, src_hbm, dst_hbm, s_out,
          src_v, dst_v, rows_v, acc_sh, gsem):
    c = lax.axis_index("c")
    s = lax.axis_index("s")
    w = c * NS + s
    pltpu.sync_copy(src_hbm.at[w], src_v)
    pltpu.sync_copy(dst_hbm.at[w], dst_v)

    @pl.when(c == 0)
    def _():
        pltpu.sync_copy(g_hbm.at[pl.ds(s * RPT, RPT)],
                        acc_sh.at[pl.ds(s * RPT, RPT)])

    @pl.when(c == 1)
    def _():
        pltpu.sync_copy(zero_hbm, acc_sh.at[pl.ds(s * RPT, RPT)])

    plsc.subcore_barrier()

    def body(j, carry):
        pltpu.async_copy(g_hbm.at[src_v.at[j]], rows_v, gsem).wait()
        pltpu.sync_copy(rows_v, acc_sh.at[dst_v.at[j]], add=True)
        return carry

    lax.fori_loop(0, NCH, body, 0)
    plsc.subcore_barrier()
    pltpu.sync_copy(acc_sh.at[pl.ds(s * RPT, RPT)],
                    s_out.at[pl.ds(c * N_PAD + s * RPT, RPT)])


def _tc1_body(x_ref, w_ref, deg_ref, g_ref):
    deg = deg_ref[0, :, 0] + deg_ref[1, :, 0] + 1.0
    dinv = lax.rsqrt(deg)
    h = jnp.dot(x_ref[...], w_ref[...], preferred_element_type=jnp.float32)
    g_ref[...] = h * dinv[:, None]


def _tc1(x, W1, deg):
    return pl.pallas_call(
        _tc1_body,
        grid=(GRID,),
        in_specs=[
            pl.BlockSpec((BLK, 128), lambda i: (i, 0)),
            pl.BlockSpec((128, 128), lambda i: (0, 0)),
            pl.BlockSpec((2, BLK, 8), lambda i: (0, i, 0)),
        ],
        out_specs=pl.BlockSpec((BLK, 128), lambda i: (i, 0)),
        out_shape=jax.ShapeDtypeStruct((N_PAD, 128), jnp.float32),
    )(x, W1, deg)


def _tc2_body(s_ref, w_ref, b_ref, deg_ref, g_ref):
    deg = deg_ref[0, :, 0] + deg_ref[1, :, 0] + 1.0
    dinv = lax.rsqrt(deg)
    x2 = (s_ref[0] + s_ref[1]) * dinv[:, None] + b_ref[0][None, :]
    h = jnp.dot(x2, w_ref[...], preferred_element_type=jnp.float32)
    g = h * dinv[:, None]
    g_ref[...] = jnp.concatenate([g, jnp.zeros_like(g)], axis=1)


def _tc2(s1, W2, b1, deg):
    return pl.pallas_call(
        _tc2_body,
        grid=(GRID,),
        in_specs=[
            pl.BlockSpec((2, BLK, 128), lambda i: (0, i, 0)),
            pl.BlockSpec((128, 64), lambda i: (0, 0)),
            pl.BlockSpec((1, 128), lambda i: (0, 0)),
            pl.BlockSpec((2, BLK, 8), lambda i: (0, i, 0)),
        ],
        out_specs=pl.BlockSpec((BLK, 128), lambda i: (i, 0)),
        out_shape=jax.ShapeDtypeStruct((N_PAD, 128), jnp.float32),
    )(s1, W2, b1, deg)


def _tc3_body(s_ref, b_ref, deg_ref, z_ref):
    deg = deg_ref[0, :, 0] + deg_ref[1, :, 0] + 1.0
    dinv = lax.rsqrt(deg)
    z = (s_ref[0, :, :64] + s_ref[1, :, :64]) * dinv[:, None]
    z_ref[...] = z + b_ref[0][None, :]


def _tc3(s2, b2, deg):
    return pl.pallas_call(
        _tc3_body,
        grid=(GRID,),
        in_specs=[
            pl.BlockSpec((2, BLK, 128), lambda i: (0, i, 0)),
            pl.BlockSpec((1, 64), lambda i: (0, 0)),
            pl.BlockSpec((2, BLK, 8), lambda i: (0, i, 0)),
        ],
        out_specs=pl.BlockSpec((BLK, 64), lambda i: (i, 0)),
        out_shape=jax.ShapeDtypeStruct((N_PAD, 64), jnp.float32),
    )(s2, b2, deg)


def kernel(x, edge_index, W1, b1, W2, b2):
    ei = edge_index.astype(jnp.int32)
    pad = E_PAD - E_EDGES
    pad_rows = N_NODES + jnp.arange(pad, dtype=jnp.int32) % (N_PAD - N_NODES)
    src = jnp.concatenate([ei[0], pad_rows])
    dst = jnp.concatenate([ei[1], pad_rows])
    src32 = src.reshape(NC * NS, NCH, CHUNK)
    dst32 = dst.reshape(NC * NS, NCH, CHUNK)
    dst_deg = dst.reshape(NC * NS, NCH, CHUNK)

    ones128 = jnp.ones((CHUNK, 128), jnp.float32)
    zero128 = jnp.zeros((RPT, 128), jnp.float32)
    x_pad = jnp.pad(x, ((0, N_PAD - N_NODES), (0, 0)))

    deg_parts = _deg_kernel(dst_deg, ones128, zero128)
    deg = deg_parts.reshape(NC, N_PAD, 128)[:, :, :8]

    g1 = _tc1(x_pad, W1, deg)
    s1 = _prop(g1, zero128, src32, dst32).reshape(NC, N_PAD, 128)

    g2 = _tc2(s1, W2, b1.reshape(1, 128), deg)
    s2 = _prop(g2, zero128, src32, dst32).reshape(NC, N_PAD, 128)

    z = _tc3(s2, b2.reshape(1, 64), deg)
    return z[:N_NODES]

# --- scband reference (transcript-rebuilt; emitter-appended) ---
"""Pipeline reference for scband-net-72224170049537 (READ-ONLY COPY).

The authoritative reference and input builder live on the scoring server;
editing this copy changes nothing except your own understanding.
"""

import jax, jax.numpy as jnp
import numpy as np

N_NODES = 10000
N_EDGES = 320000
IN_CH = 128
HID_CH = 128
OUT_CH = 64


def gcn_conv(x, edge_index, W, b):
    n = x.shape[0]
    src = edge_index[0]
    dst = edge_index[1]
    # add self-loops (GCNConv default add_self_loops=True)
    loop = jnp.arange(n, dtype=edge_index.dtype)
    src = jnp.concatenate([src, loop])
    dst = jnp.concatenate([dst, loop])
    # symmetric normalization deg^{-1/2} (A+I) deg^{-1/2}
    deg = jnp.zeros((n,), dtype=x.dtype).at[dst].add(1.0)
    dinv = jnp.where(deg > 0, deg ** -0.5, 0.0)
    norm = dinv[src] * dinv[dst]
    # linear transform first (lin has bias=False in GCNConv)
    h = x @ W
    # gather messages from src, scale, scatter-add into dst
    msg = h[src] * norm[:, None]
    out = jnp.zeros((n, h.shape[1]), dtype=x.dtype).at[dst].add(msg)
    # bias added after aggregation
    return out + b


def setup_inputs(seed: int = 0) -> dict:
    key = jax.random.key(seed)
    k1, k2, k3, k4, k5 = jax.random.split(key, 5)
    x = jax.random.normal(k1, (N_NODES, IN_CH), dtype=jnp.float32)
    edge_index = jax.random.randint(k2, (2, N_EDGES), 0, N_NODES, dtype=jnp.int64)
    # GCNConv weights: glorot-style init
    W1 = jax.random.normal(k3, (IN_CH, HID_CH), dtype=jnp.float32) * (1.0 / np.sqrt(IN_CH))
    b1 = jnp.zeros((HID_CH,), dtype=jnp.float32)
    W2 = jax.random.normal(k4, (HID_CH, OUT_CH), dtype=jnp.float32) * (1.0 / np.sqrt(HID_CH))
    b2 = jnp.zeros((OUT_CH,), dtype=jnp.float32)
    return {"x": x, "edge_index": edge_index, "W1": W1, "b1": b1, "W2": W2, "b2": b2}


def reference(x, edge_index, W1, b1, W2, b2):
    # Net.encode: conv1 -> conv2 (no activation between, per source)
    h = gcn_conv(x, edge_index, W1, b1)
    z = gcn_conv(h, edge_index, W2, b2)
    return z

if __name__ == "__main__":
    import jax
    _d = setup_inputs()
    print(jax.jit(kernel)(*tuple(_d.values())))

</pallas_src>

<mosaic_0001>
#map = affine_map<(d0, d1) -> (0, 0, 0)>
#map1 = affine_map<(d0, d1) -> (0, 0)>
module attributes {stable_mosaic.version = 14 : i64} {
  func.func @_deg_kernel(%arg0: i32, %arg1: i32, %arg2: memref<32x80x128xi32, #tpu.memory_space<hbm>>, %arg3: memref<128x128xf32, #tpu.memory_space<hbm>>, %arg4: memref<640x128xf32, #tpu.memory_space<hbm>>, %arg5: memref<20480x128xf32, #tpu.memory_space<hbm>>, %arg6: memref<80x128xi32, #tpu.memory_space<vmem>>, %arg7: memref<128x128xf32, #tpu.memory_space<vmem>>, %arg8: memref<10240x128xf32, #tpu.memory_space<vmem_shared>>) attributes {dimension_semantics = [#tpu.dimension_semantics<core_parallel>, #tpu.dimension_semantics<subcore_parallel>], iteration_bounds = array<i64: 2, 16>, scalar_prefetch = 0 : i64, scratch_operands = 3 : i64, tpu.core_type = #tpu.core_type<sc_vector_subcore>, window_params = [{transform_indices = #map}, {transform_indices = #map1}, {transform_indices = #map1}, {transform_indices = #map1}]} {
    %mul3A = arith.constant 16 : i32
    %mul3A_0 = arith.muli %arg0, %mul3A : i32
    %add3A = arith.addi %mul3A_0, %arg1 : i32
    "tpu.region"() ({
      %run_scoped3A = tpu.sem_alloc : memref<!tpu.dma_semaphore, #tpu.memory_space<semaphore_mem>>
      %dma_start3A = arith.constant 0 : i32
      %dma_start3A_16 = arith.constant 0 : i32
      %dma_start3A_17 = tpu.memref_slice %arg2[%add3A, %dma_start3A, %dma_start3A_16] : memref<32x80x128xi32, #tpu.memory_space<hbm>> -> memref<1x80x128xi32, #tpu.memory_space<hbm>>
      %dma_start3A_18 = tpu.memref_squeeze %dma_start3A_17 : memref<1x80x128xi32, #tpu.memory_space<hbm>> -> memref<80x128xi32, #tpu.memory_space<hbm>>
      %dma_start3A_19 = arith.constant 0 : i32
      %dma_start3A_20 = arith.constant 0 : i32
      %dma_start3A_21 = tpu.memref_slice %arg2[%add3A, %dma_start3A_19, %dma_start3A_20] : memref<32x80x128xi32, #tpu.memory_space<hbm>> -> memref<1x80x128xi32, #tpu.memory_space<hbm>>
      %dma_start3A_22 = tpu.memref_squeeze %dma_start3A_21 : memref<1x80x128xi32, #tpu.memory_space<hbm>> -> memref<80x128xi32, #tpu.memory_space<hbm>>
      tpu.enqueue_dma source(%dma_start3A_22 : memref<80x128xi32, #tpu.memory_space<hbm>>) target(%arg6 : memref<80x128xi32, #tpu.memory_space<vmem>>) target_semaphore(%run_scoped3A : memref<!tpu.dma_semaphore, #tpu.memory_space<semaphore_mem>>)
      %dma_wait3A = arith.constant 0 : i32
      %dma_wait3A_23 = arith.constant 0 : i32
      %dma_wait3A_24 = tpu.memref_slice %arg2[%add3A, %dma_wait3A, %dma_wait3A_23] : memref<32x80x128xi32, #tpu.memory_space<hbm>> -> memref<1x80x128xi32, #tpu.memory_space<hbm>>
      %dma_wait3A_25 = tpu.memref_squeeze %dma_wait3A_24 : memref<1x80x128xi32, #tpu.memory_space<hbm>> -> memref<80x128xi32, #tpu.memory_space<hbm>>
      %dma_wait3A_26 = arith.constant 0 : i32
      %dma_wait3A_27 = arith.constant 0 : i32
      %dma_wait3A_28 = tpu.memref_slice %arg2[%add3A, %dma_wait3A_26, %dma_wait3A_27] : memref<32x80x128xi32, #tpu.memory_space<hbm>> -> memref<1x80x128xi32, #tpu.memory_space<hbm>>
      %dma_wait3A_29 = tpu.memref_squeeze %dma_wait3A_28 : memref<1x80x128xi32, #tpu.memory_space<hbm>> -> memref<80x128xi32, #tpu.memory_space<hbm>>
      tpu.wait_dma2 semaphore(%run_scoped3A : memref<!tpu.dma_semaphore, #tpu.memory_space<semaphore_mem>>) src(%dma_wait3A_29 : memref<80x128xi32, #tpu.memory_space<hbm>>) dst(%arg6 : memref<80x128xi32, #tpu.memory_space<vmem>>)
      tpu.yield
    }) : () -> ()
    "tpu.region"() ({
      %run_scoped3A = tpu.sem_alloc : memref<!tpu.dma_semaphore, #tpu.memory_space<semaphore_mem>>
      tpu.enqueue_dma source(%arg3 : memref<128x128xf32, #tpu.memory_space<hbm>>) target(%arg7 : memref<128x128xf32, #tpu.memory_space<vmem>>) target_semaphore(%run_scoped3A : memref<!tpu.dma_semaphore, #tpu.memory_space<semaphore_mem>>)
      tpu.wait_dma2 semaphore(%run_scoped3A : memref<!tpu.dma_semaphore, #tpu.memory_space<semaphore_mem>>) src(%arg3 : memref<128x128xf32, #tpu.memory_space<hbm>>) dst(%arg7 : memref<128x128xf32, #tpu.memory_space<vmem>>)
      tpu.yield
    }) : () -> ()
    %mul3A_1 = arith.constant 640 : i32
    %mul3A_2 = arith.muli %arg1, %mul3A_1 : i32
    "tpu.region"() ({
      %run_scoped3A = tpu.sem_alloc : memref<!tpu.dma_semaphore, #tpu.memory_space<semaphore_mem>>
      %dma_start3A = arith.constant 0 : i32
      %dma_start3A_16 = tpu.memref_slice %arg8[%mul3A_2, %dma_start3A] : memref<10240x128xf32, #tpu.memory_space<vmem_shared>> -> memref<640x128xf32, #tpu.memory_space<vmem_shared>>
      tpu.enqueue_dma source(%arg4 : memref<640x128xf32, #tpu.memory_space<hbm>>) target(%dma_start3A_16 : memref<640x128xf32, #tpu.memory_space<vmem_shared>>) target_semaphore(%run_scoped3A : memref<!tpu.dma_semaphore, #tpu.memory_space<semaphore_mem>>)
      %dma_wait3A = arith.constant 0 : i32
      %dma_wait3A_17 = tpu.memref_slice %arg8[%mul3A_2, %dma_wait3A] : memref<10240x128xf32, #tpu.memory_space<vmem_shared>> -> memref<640x128xf32, #tpu.memory_space<vmem_shared>>
      tpu.wait_dma2 semaphore(%run_scoped3A : memref<!tpu.dma_semaphore, #tpu.memory_space<semaphore_mem>>) src(%arg4 : memref<640x128xf32, #tpu.memory_space<hbm>>) dst(%dma_wait3A_17 : memref<640x128xf32, #tpu.memory_space<vmem_shared>>)
      tpu.yield
    }) : () -> ()
    %barrier3A = arith.constant 0 : index
    tpu.barrier barrier_id(%barrier3A)
    %scan3A = arith.constant 0 : i32
    %scan3A_3 = arith.constant 0 : i32
    %scan3A_4 = arith.constant 80 : i32
    %scan3A_5 = arith.addi %scan3A_3, %scan3A_4 : i32
    %scan3A_6 = arith.constant 1 : i32
    scf.for %scan3A_16 = %scan3A_3 to %scan3A_5 step %scan3A_6  : i32 {
      "tpu.region"() ({
        %run_scoped3A = tpu.sem_alloc : memref<!tpu.dma_semaphore, #tpu.memory_space<semaphore_mem>>
        %dma_start3A = arith.constant 0 : i32
        %dma_start3A_17 = tpu.memref_slice %arg6[%scan3A_16, %dma_start3A] : memref<80x128xi32, #tpu.memory_space<vmem>> -> memref<1x128xi32, #tpu.memory_space<vmem>>
        %dma_start3A_18 = tpu.memref_squeeze %dma_start3A_17 : memref<1x128xi32, #tpu.memory_space<vmem>> -> memref<128xi32, #tpu.memory_space<vmem>>
        %dma_start3A_19 = arith.constant 0 : i32
        %dma_start3A_20 = arith.constant 0 : i32
        %dma_start3A_21 = tpu.memref_slice %arg8[%dma_start3A_19, %dma_start3A_20] : memref<10240x128xf32, #tpu.memory_space<vmem_shared>> -> memref<10240x128xf32, #tpu.memory_space<vmem_shared>>
        tpu.enqueue_indirect_dma source(%arg7 : memref<128x128xf32, #tpu.memory_space<vmem>>) target(%dma_start3A_21 : memref<10240x128xf32, #tpu.memory_space<vmem_shared>>) offsets(%dma_start3A_18 : memref<128xi32, #tpu.memory_space<vmem>>) semaphore(%run_scoped3A : memref<!tpu.dma_semaphore, #tpu.memory_space<semaphore_mem>>) {add = true}
        %dma_wait3A = arith.constant 0 : i32
        %dma_wait3A_22 = tpu.memref_slice %arg6[%scan3A_16, %dma_wait3A] : memref<80x128xi32, #tpu.memory_space<vmem>> -> memref<1x128xi32, #tpu.memory_space<vmem>>
        %dma_wait3A_23 = tpu.memref_squeeze %dma_wait3A_22 : memref<1x128xi32, #tpu.memory_space<vmem>> -> memref<128xi32, #tpu.memory_space<vmem>>
        %dma_wait3A_24 = arith.constant 0 : i32
        %dma_wait3A_25 = arith.constant 0 : i32
        %dma_wait3A_26 = tpu.memref_slice %arg8[%dma_wait3A_24, %dma_wait3A_25] : memref<10240x128xf32, #tpu.memory_space<vmem_shared>> -> memref<10240x128xf32, #tpu.memory_space<vmem_shared>>
        tpu.wait_indirect_dma semaphore(%run_scoped3A : memref<!tpu.dma_semaphore, #tpu.memory_space<semaphore_mem>>) src(%arg7 : memref<128x128xf32, #tpu.memory_space<vmem>>) dst(%dma_wait3A_26 : memref<10240x128xf32, #tpu.memory_space<vmem_shared>>)
        tpu.yield
      }) : () -> ()
    }
    %scan3A_7 = arith.constant 80 : i32
    %barrier3A_8 = arith.constant 0 : index
    tpu.barrier barrier_id(%barrier3A_8)
    %mul3A_9 = arith.constant 640 : i32
    %mul3A_10 = arith.muli %arg1, %mul3A_9 : i32
    %mul3A_11 = arith.constant 10240 : i32
    %mul3A_12 = arith.muli %arg0, %mul3A_11 : i32
    %mul3A_13 = arith.constant 640 : i32
    %mul3A_14 = arith.muli %arg1, %mul3A_13 : i32
    %add3A_15 = arith.addi %mul3A_12, %mul3A_14 : i32
    "tpu.region"() ({
      %run_scoped3A = tpu.sem_alloc : memref<!tpu.dma_semaphore, #tpu.memory_space<semaphore_mem>>
      %dma_start3A = arith.constant 0 : i32
      %dma_start3A_16 = tpu.memref_slice %arg5[%add3A_15, %dma_start3A] : memref<20480x128xf32, #tpu.memory_space<hbm>> -> memref<640x128xf32, #tpu.memory_space<hbm>>
      %dma_start3A_17 = arith.constant 0 : i32
      %dma_start3A_18 = tpu.memref_slice %arg8[%mul3A_10, %dma_start3A_17] : memref<10240x128xf32, #tpu.memory_space<vmem_shared>> -> memref<640x128xf32, #tpu.memory_space<vmem_shared>>
      tpu.enqueue_dma source(%dma_start3A_18 : memref<640x128xf32, #tpu.memory_space<vmem_shared>>) target(%dma_start3A_16 : memref<640x128xf32, #tpu.memory_space<hbm>>) target_semaphore(%run_scoped3A : memref<!tpu.dma_semaphore, #tpu.memory_space<semaphore_mem>>)
      %dma_wait3A = arith.constant 0 : i32
      %dma_wait3A_19 = tpu.memref_slice %arg5[%add3A_15, %dma_wait3A] : memref<20480x128xf32, #tpu.memory_space<hbm>> -> memref<640x128xf32, #tpu.memory_space<hbm>>
      %dma_wait3A_20 = arith.constant 0 : i32
      %dma_wait3A_21 = tpu.memref_slice %arg8[%mul3A_10, %dma_wait3A_20] : memref<10240x128xf32, #tpu.memory_space<vmem_shared>> -> memref<640x128xf32, #tpu.memory_space<vmem_shared>>
      tpu.wait_dma2 semaphore(%run_scoped3A : memref<!tpu.dma_semaphore, #tpu.memory_space<semaphore_mem>>) src(%dma_wait3A_21 : memref<640x128xf32, #tpu.memory_space<vmem_shared>>) dst(%dma_wait3A_19 : memref<640x128xf32, #tpu.memory_space<hbm>>)
      tpu.yield
    }) : () -> ()
    return
  }
}

#map = affine_map<(d0, d1) -> (0, 0)>
#map1 = affine_map<(d0, d1) -> (0, 0, 0)>
module attributes {stable_mosaic.version = 14 : i64} {
  func.func @_prop(%arg0: i32, %arg1: i32, %arg2: memref<10240x128xf32, #tpu.memory_space<hbm>>, %arg3: memref<640x128xf32, #tpu.memory_space<hbm>>, %arg4: memref<32x80x128xi32, #tpu.memory_space<hbm>>, %arg5: memref<32x80x128xi32, #tpu.memory_space<hbm>>, %arg6: memref<20480x128xf32, #tpu.memory_space<hbm>>, %arg7: memref<80x128xi32, #tpu.memory_space<vmem>>, %arg8: memref<80x128xi32, #tpu.memory_space<vmem>>, %arg9: memref<128x128xf32, #tpu.memory_space<vmem>>, %arg10: memref<10240x128xf32, #tpu.memory_space<vmem_shared>>, %arg11: memref<!tpu.dma_semaphore, #tpu.memory_space<semaphore_mem>>) attributes {dimension_semantics = [#tpu.dimension_semantics<core_parallel>, #tpu.dimension_semantics<subcore_parallel>], iteration_bounds = array<i64: 2, 16>, scalar_prefetch = 0 : i64, scratch_operands = 5 : i64, tpu.core_type = #tpu.core_type<sc_vector_subcore>, window_params = [{transform_indices = #map}, {transform_indices = #map}, {transform_indices = #map1}, {transform_indices = #map1}, {transform_indices = #map}]} {
    %mul3A = arith.constant 16 : i32
    %mul3A_0 = arith.muli %arg0, %mul3A : i32
    %add3A = arith.addi %mul3A_0, %arg1 : i32
    "tpu.region"() ({
      %run_scoped3A = tpu.sem_alloc : memref<!tpu.dma_semaphore, #tpu.memory_space<semaphore_mem>>
      %dma_start3A = arith.constant 0 : i32
      %dma_start3A_21 = arith.constant 0 : i32
      %dma_start3A_22 = tpu.memref_slice %arg4[%add3A, %dma_start3A, %dma_start3A_21] : memref<32x80x128xi32, #tpu.memory_space<hbm>> -> memref<1x80x128xi32, #tpu.memory_space<hbm>>
      %dma_start3A_23 = tpu.memref_squeeze %dma_start3A_22 : memref<1x80x128xi32, #tpu.memory_space<hbm>> -> memref<80x128xi32, #tpu.memory_space<hbm>>
      %dma_start3A_24 = arith.constant 0 : i32
      %dma_start3A_25 = arith.constant 0 : i32
      %dma_start3A_26 = tpu.memref_slice %arg4[%add3A, %dma_start3A_24, %dma_start3A_25] : memref<32x80x128xi32, #tpu.memory_space<hbm>> -> memref<1x80x128xi32, #tpu.memory_space<hbm>>
      %dma_start3A_27 = tpu.memref_squeeze %dma_start3A_26 : memref<1x80x128xi32, #tpu.memory_space<hbm>> -> memref<80x128xi32, #tpu.memory_space<hbm>>
      tpu.enqueue_dma source(%dma_start3A_27 : memref<80x128xi32, #tpu.memory_space<hbm>>) target(%arg7 : memref<80x128xi32, #tpu.memory_space<vmem>>) target_semaphore(%run_scoped3A : memref<!tpu.dma_semaphore, #tpu.memory_space<semaphore_mem>>)
      %dma_wait3A = arith.constant 0 : i32
      %dma_wait3A_28 = arith.constant 0 : i32
      %dma_wait3A_29 = tpu.memref_slice %arg4[%add3A, %dma_wait3A, %dma_wait3A_28] : memref<32x80x128xi32, #tpu.memory_space<hbm>> -> memref<1x80x128xi32, #tpu.memory_space<hbm>>
      %dma_wait3A_30 = tpu.memref_squeeze %dma_wait3A_29 : memref<1x80x128xi32, #tpu.memory_space<hbm>> -> memref<80x128xi32, #tpu.memory_space<hbm>>
      %dma_wait3A_31 = arith.constant 0 : i32
      %dma_wait3A_32 = arith.constant 0 : i32
      %dma_wait3A_33 = tpu.memref_slice %arg4[%add3A, %dma_wait3A_31, %dma_wait3A_32] : memref<32x80x128xi32, #tpu.memory_space<hbm>> -> memref<1x80x128xi32, #tpu.memory_space<hbm>>
      %dma_wait3A_34 = tpu.memref_squeeze %dma_wait3A_33 : memref<1x80x128xi32, #tpu.memory_space<hbm>> -> memref<80x128xi32, #tpu.memory_space<hbm>>
      tpu.wait_dma2 semaphore(%run_scoped3A : memref<!tpu.dma_semaphore, #tpu.memory_space<semaphore_mem>>) src(%dma_wait3A_34 : memref<80x128xi32, #tpu.memory_space<hbm>>) dst(%arg7 : memref<80x128xi32, #tpu.memory_space<vmem>>)
      tpu.yield
    }) : () -> ()
    "tpu.region"() ({
      %run_scoped3A = tpu.sem_alloc : memref<!tpu.dma_semaphore, #tpu.memory_space<semaphore_mem>>
      %dma_start3A = arith.constant 0 : i32
      %dma_start3A_21 = arith.constant 0 : i32
      %dma_start3A_22 = tpu.memref_slice %arg5[%add3A, %dma_start3A, %dma_start3A_21] : memref<32x80x128xi32, #tpu.memory_space<hbm>> -> memref<1x80x128xi32, #tpu.memory_space<hbm>>
      %dma_start3A_23 = tpu.memref_squeeze %dma_start3A_22 : memref<1x80x128xi32, #tpu.memory_space<hbm>> -> memref<80x128xi32, #tpu.memory_space<hbm>>
      %dma_start3A_24 = arith.constant 0 : i32
      %dma_start3A_25 = arith.constant 0 : i32
      %dma_start3A_26 = tpu.memref_slice %arg5[%add3A, %dma_start3A_24, %dma_start3A_25] : memref<32x80x128xi32, #tpu.memory_space<hbm>> -> memref<1x80x128xi32, #tpu.memory_space<hbm>>
      %dma_start3A_27 = tpu.memref_squeeze %dma_start3A_26 : memref<1x80x128xi32, #tpu.memory_space<hbm>> -> memref<80x128xi32, #tpu.memory_space<hbm>>
      tpu.enqueue_dma source(%dma_start3A_27 : memref<80x128xi32, #tpu.memory_space<hbm>>) target(%arg8 : memref<80x128xi32, #tpu.memory_space<vmem>>) target_semaphore(%run_scoped3A : memref<!tpu.dma_semaphore, #tpu.memory_space<semaphore_mem>>)
      %dma_wait3A = arith.constant 0 : i32
      %dma_wait3A_28 = arith.constant 0 : i32
      %dma_wait3A_29 = tpu.memref_slice %arg5[%add3A, %dma_wait3A, %dma_wait3A_28] : memref<32x80x128xi32, #tpu.memory_space<hbm>> -> memref<1x80x128xi32, #tpu.memory_space<hbm>>
      %dma_wait3A_30 = tpu.memref_squeeze %dma_wait3A_29 : memref<1x80x128xi32, #tpu.memory_space<hbm>> -> memref<80x128xi32, #tpu.memory_space<hbm>>
      %dma_wait3A_31 = arith.constant 0 : i32
      %dma_wait3A_32 = arith.constant 0 : i32
      %dma_wait3A_33 = tpu.memref_slice %arg5[%add3A, %dma_wait3A_31, %dma_wait3A_32] : memref<32x80x128xi32, #tpu.memory_space<hbm>> -> memref<1x80x128xi32, #tpu.memory_space<hbm>>
      %dma_wait3A_34 = tpu.memref_squeeze %dma_wait3A_33 : memref<1x80x128xi32, #tpu.memory_space<hbm>> -> memref<80x128xi32, #tpu.memory_space<hbm>>
      tpu.wait_dma2 semaphore(%run_scoped3A : memref<!tpu.dma_semaphore, #tpu.memory_space<semaphore_mem>>) src(%dma_wait3A_34 : memref<80x128xi32, #tpu.memory_space<hbm>>) dst(%arg8 : memref<80x128xi32, #tpu.memory_space<vmem>>)
      tpu.yield
    }) : () -> ()
    %eq3A = arith.constant 0 : i32
    %eq3A_1 = arith.cmpi eq, %arg0, %eq3A : i32
    %convert_element_type3A = arith.extui %eq3A_1 : i1 to i32
    %cond3A = arith.constant 0 : i32
    %cond3A_2 = arith.cmpi ne, %convert_element_type3A, %cond3A : i32
    scf.if %cond3A_2 {
      %mul3A_21 = arith.constant 640 : i32
      %mul3A_22 = arith.muli %arg1, %mul3A_21 : i32
      %mul3A_23 = arith.constant 640 : i32
      %mul3A_24 = arith.muli %arg1, %mul3A_23 : i32
      "tpu.region"() ({
        %run_scoped3A = tpu.sem_alloc : memref<!tpu.dma_semaphore, #tpu.memory_space<semaphore_mem>>
        %dma_start3A = arith.constant 0 : i32
        %dma_start3A_25 = tpu.memref_slice %arg10[%mul3A_24, %dma_start3A] : memref<10240x128xf32, #tpu.memory_space<vmem_shared>> -> memref<640x128xf32, #tpu.memory_space<vmem_shared>>
        %dma_start3A_26 = arith.constant 0 : i32
        %dma_start3A_27 = tpu.memref_slice %arg2[%mul3A_22, %dma_start3A_26] : memref<10240x128xf32, #tpu.memory_space<hbm>> -> memref<640x128xf32, #tpu.memory_space<hbm>>
        tpu.enqueue_dma source(%dma_start3A_27 : memref<640x128xf32, #tpu.memory_space<hbm>>) target(%dma_start3A_25 : memref<640x128xf32, #tpu.memory_space<vmem_shared>>) target_semaphore(%run_scoped3A : memref<!tpu.dma_semaphore, #tpu.memory_space<semaphore_mem>>)
        %dma_wait3A = arith.constant 0 : i32
        %dma_wait3A_28 = tpu.memref_slice %arg10[%mul3A_24, %dma_wait3A] : memref<10240x128xf32, #tpu.memory_space<vmem_shared>> -> memref<640x128xf32, #tpu.memory_space<vmem_shared>>
        %dma_wait3A_29 = arith.constant 0 : i32
        %dma_wait3A_30 = tpu.memref_slice %arg2[%mul3A_22, %dma_wait3A_29] : memref<10240x128xf32, #tpu.memory_space<hbm>> -> memref<640x128xf32, #tpu.memory_space<hbm>>
        tpu.wait_dma2 semaphore(%run_scoped3A : memref<!tpu.dma_semaphore, #tpu.memory_space<semaphore_mem>>) src(%dma_wait3A_30 : memref<640x128xf32, #tpu.memory_space<hbm>>) dst(%dma_wait3A_28 : memref<640x128xf32, #tpu.memory_space<vmem_shared>>)
        tpu.yield
      }) : () -> ()
    } else {
    }
    %eq3A_3 = arith.constant 1 : i32
    %eq3A_4 = arith.cmpi eq, %arg0, %eq3A_3 : i32
    %convert_element_type3A_5 = arith.extui %eq3A_4 : i1 to i32
    %cond3A_6 = arith.constant 0 : i32
    %cond3A_7 = arith.cmpi ne, %convert_element_type3A_5, %cond3A_6 : i32
    scf.if %cond3A_7 {
      %mul3A_21 = arith.constant 640 : i32
      %mul3A_22 = arith.muli %arg1, %mul3A_21 : i32
      "tpu.region"() ({
        %run_scoped3A = tpu.sem_alloc : memref<!tpu.dma_semaphore, #tpu.memory_space<semaphore_mem>>
        %dma_start3A = arith.constant 0 : i32
        %dma_start3A_23 = tpu.memref_slice %arg10[%mul3A_22, %dma_start3A] : memref<10240x128xf32, #tpu.memory_space<vmem_shared>> -> memref<640x128xf32, #tpu.memory_space<vmem_shared>>
        tpu.enqueue_dma source(%arg3 : memref<640x128xf32, #tpu.memory_space<hbm>>) target(%dma_start3A_23 : memref<640x128xf32, #tpu.memory_space<vmem_shared>>) target_semaphore(%run_scoped3A : memref<!tpu.dma_semaphore, #tpu.memory_space<semaphore_mem>>)
        %dma_wait3A = arith.constant 0 : i32
        %dma_wait3A_24 = tpu.memref_slice %arg10[%mul3A_22, %dma_wait3A] : memref<10240x128xf32, #tpu.memory_space<vmem_shared>> -> memref<640x128xf32, #tpu.memory_space<vmem_shared>>
        tpu.wait_dma2 semaphore(%run_scoped3A : memref<!tpu.dma_semaphore, #tpu.memory_space<semaphore_mem>>) src(%arg3 : memref<640x128xf32, #tpu.memory_space<hbm>>) dst(%dma_wait3A_24 : memref<640x128xf32, #tpu.memory_space<vmem_shared>>)
        tpu.yield
      }) : () -> ()
    } else {
    }
    %barrier3A = arith.constant 0 : index
    tpu.barrier barrier_id(%barrier3A)
    %scan3A = arith.constant 0 : i32
    %scan3A_8 = arith.constant 0 : i32
    %scan3A_9 = arith.constant 80 : i32
    %scan3A_10 = arith.addi %scan3A_8, %scan3A_9 : i32
    %scan3A_11 = arith.constant 1 : i32
    scf.for %scan3A_21 = %scan3A_8 to %scan3A_10 step %scan3A_11  : i32 {
      %dma_start3A = arith.constant 0 : i32
      %dma_start3A_22 = tpu.memref_slice %arg7[%scan3A_21, %dma_start3A] : memref<80x128xi32, #tpu.memory_space<vmem>> -> memref<1x128xi32, #tpu.memory_space<vmem>>
      %dma_start3A_23 = tpu.memref_squeeze %dma_start3A_22 : memref<1x128xi32, #tpu.memory_space<vmem>> -> memref<128xi32, #tpu.memory_space<vmem>>
      %dma_start3A_24 = arith.constant 0 : i32
      %dma_start3A_25 = arith.constant 0 : i32
      %dma_start3A_26 = tpu.memref_slice %arg2[%dma_start3A_24, %dma_start3A_25] : memref<10240x128xf32, #tpu.memory_space<hbm>> -> memref<10240x128xf32, #tpu.memory_space<hbm>>
      tpu.enqueue_indirect_dma source(%dma_start3A_26 : memref<10240x128xf32, #tpu.memory_space<hbm>>) target(%arg9 : memref<128x128xf32, #tpu.memory_space<vmem>>) offsets(%dma_start3A_23 : memref<128xi32, #tpu.memory_space<vmem>>) semaphore(%arg11 : memref<!tpu.dma_semaphore, #tpu.memory_space<semaphore_mem>>)
      %dma_wait3A = arith.constant 0 : i32
      %dma_wait3A_27 = tpu.memref_slice %arg7[%scan3A_21, %dma_wait3A] : memref<80x128xi32, #tpu.memory_space<vmem>> -> memref<1x128xi32, #tpu.memory_space<vmem>>
      %dma_wait3A_28 = tpu.memref_squeeze %dma_wait3A_27 : memref<1x128xi32, #tpu.memory_space<vmem>> -> memref<128xi32, #tpu.memory_space<vmem>>
      %dma_wait3A_29 = arith.constant 0 : i32
      %dma_wait3A_30 = arith.constant 0 : i32
      %dma_wait3A_31 = tpu.memref_slice %arg2[%dma_wait3A_29, %dma_wait3A_30] : memref<10240x128xf32, #tpu.memory_space<hbm>> -> memref<10240x128xf32, #tpu.memory_space<hbm>>
      tpu.wait_indirect_dma semaphore(%arg11 : memref<!tpu.dma_semaphore, #tpu.memory_space<semaphore_mem>>) src(%dma_wait3A_31 : memref<10240x128xf32, #tpu.memory_space<hbm>>) dst(%arg9 : memref<128x128xf32, #tpu.memory_space<vmem>>)
      "tpu.region"() ({
        %run_scoped3A = tpu.sem_alloc : memref<!tpu.dma_semaphore, #tpu.memory_space<semaphore_mem>>
        %dma_start3A_32 = arith.constant 0 : i32
        %dma_start3A_33 = tpu.memref_slice %arg8[%scan3A_21, %dma_start3A_32] : memref<80x128xi32, #tpu.memory_space<vmem>> -> memref<1x128xi32, #tpu.memory_space<vmem>>
        %dma_start3A_34 = tpu.memref_squeeze %dma_start3A_33 : memref<1x128xi32, #tpu.memory_space<vmem>> -> memref<128xi32, #tpu.memory_space<vmem>>
        %dma_start3A_35 = arith.constant 0 : i32
        %dma_start3A_36 = arith.constant 0 : i32
        %dma_start3A_37 = tpu.memref_slice %arg10[%dma_start3A_35, %dma_start3A_36] : memref<10240x128xf32, #tpu.memory_space<vmem_shared>> -> memref<10240x128xf32, #tpu.memory_space<vmem_shared>>
        tpu.enqueue_indirect_dma source(%arg9 : memref<128x128xf32, #tpu.memory_space<vmem>>) target(%dma_start3A_37 : memref<10240x128xf32, #tpu.memory_space<vmem_shared>>) offsets(%dma_start3A_34 : memref<128xi32, #tpu.memory_space<vmem>>) semaphore(%run_scoped3A : memref<!tpu.dma_semaphore, #tpu.memory_space<semaphore_mem>>) {add = true}
        %dma_wait3A_38 = arith.constant 0 : i32
        %dma_wait3A_39 = tpu.memref_slice %arg8[%scan3A_21, %dma_wait3A_38] : memref<80x128xi32, #tpu.memory_space<vmem>> -> memref<1x128xi32, #tpu.memory_space<vmem>>
        %dma_wait3A_40 = tpu.memref_squeeze %dma_wait3A_39 : memref<1x128xi32, #tpu.memory_space<vmem>> -> memref<128xi32, #tpu.memory_space<vmem>>
        %dma_wait3A_41 = arith.constant 0 : i32
        %dma_wait3A_42 = arith.constant 0 : i32
        %dma_wait3A_43 = tpu.memref_slice %arg10[%dma_wait3A_41, %dma_wait3A_42] : memref<10240x128xf32, #tpu.memory_space<vmem_shared>> -> memref<10240x128xf32, #tpu.memory_space<vmem_shared>>
        tpu.wait_indirect_dma semaphore(%run_scoped3A : memref<!tpu.dma_semaphore, #tpu.memory_space<semaphore_mem>>) src(%arg9 : memref<128x128xf32, #tpu.memory_space<vmem>>) dst(%dma_wait3A_43 : memref<10240x128xf32, #tpu.memory_space<vmem_shared>>)
        tpu.yield
      }) : () -> ()
    }
    %scan3A_12 = arith.constant 80 : i32
    %barrier3A_13 = arith.constant 0 : index
    tpu.barrier barrier_id(%barrier3A_13)
    %mul3A_14 = arith.constant 640 : i32
    %mul3A_15 = arith.muli %arg1, %mul3A_14 : i32
    %mul3A_16 = arith.constant 10240 : i32
    %mul3A_17 = arith.muli %arg0, %mul3A_16 : i32
    %mul3A_18 = arith.constant 640 : i32
    %mul3A_19 = arith.muli %arg1, %mul3A_18 : i32
    %add3A_20 = arith.addi %mul3A_17, %mul3A_19 : i32
    "tpu.region"() ({
      %run_scoped3A = tpu.sem_alloc : memref<!tpu.dma_semaphore, #tpu.memory_space<semaphore_mem>>
      %dma_start3A = arith.constant 0 : i32
      %dma_start3A_21 = tpu.memref_slice %arg6[%add3A_20, %dma_start3A] : memref<20480x128xf32, #tpu.memory_space<hbm>> -> memref<640x128xf32, #tpu.memory_space<hbm>>
      %dma_start3A_22 = arith.constant 0 : i32
      %dma_start3A_23 = tpu.memref_slice %arg10[%mul3A_15, %dma_start3A_22] : memref<10240x128xf32, #tpu.memory_space<vmem_shared>> -> memref<640x128xf32, #tpu.memory_space<vmem_shared>>
      tpu.enqueue_dma source(%dma_start3A_23 : memref<640x128xf32, #tpu.memory_space<vmem_shared>>) target(%dma_start3A_21 : memref<640x128xf32, #tpu.memory_space<hbm>>) target_semaphore(%run_scoped3A : memref<!tpu.dma_semaphore, #tpu.memory_space<semaphore_mem>>)
      %dma_wait3A = arith.constant 0 : i32
      %dma_wait3A_24 = tpu.memref_slice %arg6[%add3A_20, %dma_wait3A] : memref<20480x128xf32, #tpu.memory_space<hbm>> -> memref<640x128xf32, #tpu.memory_space<hbm>>
      %dma_wait3A_25 = arith.constant 0 : i32
      %dma_wait3A_26 = tpu.memref_slice %arg10[%mul3A_15, %dma_wait3A_25] : memref<10240x128xf32, #tpu.memory_space<vmem_shared>> -> memref<640x128xf32, #tpu.memory_space<vmem_shared>>
      tpu.wait_dma2 semaphore(%run_scoped3A : memref<!tpu.dma_semaphore, #tpu.memory_space<semaphore_mem>>) src(%dma_wait3A_26 : memref<640x128xf32, #tpu.memory_space<vmem_shared>>) dst(%dma_wait3A_24 : memref<640x128xf32, #tpu.memory_space<hbm>>)
      tpu.yield
    }) : () -> ()
    return
  }
}

#map = affine_map<(d0, d1) -> (0, 0)>
#map1 = affine_map<(d0, d1) -> (0, 0, 0)>
module attributes {stable_mosaic.version = 14 : i64} {
  func.func @_prop(%arg0: i32, %arg1: i32, %arg2: memref<10240x128xf32, #tpu.memory_space<hbm>>, %arg3: memref<640x128xf32, #tpu.memory_space<hbm>>, %arg4: memref<32x80x128xi32, #tpu.memory_space<hbm>>, %arg5: memref<32x80x128xi32, #tpu.memory_space<hbm>>, %arg6: memref<20480x128xf32, #tpu.memory_space<hbm>>, %arg7: memref<80x128xi32, #tpu.memory_space<vmem>>, %arg8: memref<80x128xi32, #tpu.memory_space<vmem>>, %arg9: memref<128x128xf32, #tpu.memory_space<vmem>>, %arg10: memref<10240x128xf32, #tpu.memory_space<vmem_shared>>, %arg11: memref<!tpu.dma_semaphore, #tpu.memory_space<semaphore_mem>>) attributes {dimension_semantics = [#tpu.dimension_semantics<core_parallel>, #tpu.dimension_semantics<subcore_parallel>], iteration_bounds = array<i64: 2, 16>, scalar_prefetch = 0 : i64, scratch_operands = 5 : i64, tpu.core_type = #tpu.core_type<sc_vector_subcore>, window_params = [{transform_indices = #map}, {transform_indices = #map}, {transform_indices = #map1}, {transform_indices = #map1}, {transform_indices = #map}]} {
    %mul3A = arith.constant 16 : i32
    %mul3A_0 = arith.muli %arg0, %mul3A : i32
    %add3A = arith.addi %mul3A_0, %arg1 : i32
    "tpu.region"() ({
      %run_scoped3A = tpu.sem_alloc : memref<!tpu.dma_semaphore, #tpu.memory_space<semaphore_mem>>
      %dma_start3A = arith.constant 0 : i32
      %dma_start3A_21 = arith.constant 0 : i32
      %dma_start3A_22 = tpu.memref_slice %arg4[%add3A, %dma_start3A, %dma_start3A_21] : memref<32x80x128xi32, #tpu.memory_space<hbm>> -> memref<1x80x128xi32, #tpu.memory_space<hbm>>
      %dma_start3A_23 = tpu.memref_squeeze %dma_start3A_22 : memref<1x80x128xi32, #tpu.memory_space<hbm>> -> memref<80x128xi32, #tpu.memory_space<hbm>>
      %dma_start3A_24 = arith.constant 0 : i32
      %dma_start3A_25 = arith.constant 0 : i32
      %dma_start3A_26 = tpu.memref_slice %arg4[%add3A, %dma_start3A_24, %dma_start3A_25] : memref<32x80x128xi32, #tpu.memory_space<hbm>> -> memref<1x80x128xi32, #tpu.memory_space<hbm>>
      %dma_start3A_27 = tpu.memref_squeeze %dma_start3A_26 : memref<1x80x128xi32, #tpu.memory_space<hbm>> -> memref<80x128xi32, #tpu.memory_space<hbm>>
      tpu.enqueue_dma source(%dma_start3A_27 : memref<80x128xi32, #tpu.memory_space<hbm>>) target(%arg7 : memref<80x128xi32, #tpu.memory_space<vmem>>) target_semaphore(%run_scoped3A : memref<!tpu.dma_semaphore, #tpu.memory_space<semaphore_mem>>)
      %dma_wait3A = arith.constant 0 : i32
      %dma_wait3A_28 = arith.constant 0 : i32
      %dma_wait3A_29 = tpu.memref_slice %arg4[%add3A, %dma_wait3A, %dma_wait3A_28] : memref<32x80x128xi32, #tpu.memory_space<hbm>> -> memref<1x80x128xi32, #tpu.memory_space<hbm>>
      %dma_wait3A_30 = tpu.memref_squeeze %dma_wait3A_29 : memref<1x80x128xi32, #tpu.memory_space<hbm>> -> memref<80x128xi32, #tpu.memory_space<hbm>>
      %dma_wait3A_31 = arith.constant 0 : i32
      %dma_wait3A_32 = arith.constant 0 : i32
      %dma_wait3A_33 = tpu.memref_slice %arg4[%add3A, %dma_wait3A_31, %dma_wait3A_32] : memref<32x80x128xi32, #tpu.memory_space<hbm>> -> memref<1x80x128xi32, #tpu.memory_space<hbm>>
      %dma_wait3A_34 = tpu.memref_squeeze %dma_wait3A_33 : memref<1x80x128xi32, #tpu.memory_space<hbm>> -> memref<80x128xi32, #tpu.memory_space<hbm>>
      tpu.wait_dma2 semaphore(%run_scoped3A : memref<!tpu.dma_semaphore, #tpu.memory_space<semaphore_mem>>) src(%dma_wait3A_34 : memref<80x128xi32, #tpu.memory_space<hbm>>) dst(%arg7 : memref<80x128xi32, #tpu.memory_space<vmem>>)
      tpu.yield
    }) : () -> ()
    "tpu.region"() ({
      %run_scoped3A = tpu.sem_alloc : memref<!tpu.dma_semaphore, #tpu.memory_space<semaphore_mem>>
      %dma_start3A = arith.constant 0 : i32
      %dma_start3A_21 = arith.constant 0 : i32
      %dma_start3A_22 = tpu.memref_slice %arg5[%add3A, %dma_start3A, %dma_start3A_21] : memref<32x80x128xi32, #tpu.memory_space<hbm>> -> memref<1x80x128xi32, #tpu.memory_space<hbm>>
      %dma_start3A_23 = tpu.memref_squeeze %dma_start3A_22 : memref<1x80x128xi32, #tpu.memory_space<hbm>> -> memref<80x128xi32, #tpu.memory_space<hbm>>
      %dma_start3A_24 = arith.constant 0 : i32
      %dma_start3A_25 = arith.constant 0 : i32
      %dma_start3A_26 = tpu.memref_slice %arg5[%add3A, %dma_start3A_24, %dma_start3A_25] : memref<32x80x128xi32, #tpu.memory_space<hbm>> -> memref<1x80x128xi32, #tpu.memory_space<hbm>>
      %dma_start3A_27 = tpu.memref_squeeze %dma_start3A_26 : memref<1x80x128xi32, #tpu.memory_space<hbm>> -> memref<80x128xi32, #tpu.memory_space<hbm>>
      tpu.enqueue_dma source(%dma_start3A_27 : memref<80x128xi32, #tpu.memory_space<hbm>>) target(%arg8 : memref<80x128xi32, #tpu.memory_space<vmem>>) target_semaphore(%run_scoped3A : memref<!tpu.dma_semaphore, #tpu.memory_space<semaphore_mem>>)
      %dma_wait3A = arith.constant 0 : i32
      %dma_wait3A_28 = arith.constant 0 : i32
      %dma_wait3A_29 = tpu.memref_slice %arg5[%add3A, %dma_wait3A, %dma_wait3A_28] : memref<32x80x128xi32, #tpu.memory_space<hbm>> -> memref<1x80x128xi32, #tpu.memory_space<hbm>>
      %dma_wait3A_30 = tpu.memref_squeeze %dma_wait3A_29 : memref<1x80x128xi32, #tpu.memory_space<hbm>> -> memref<80x128xi32, #tpu.memory_space<hbm>>
      %dma_wait3A_31 = arith.constant 0 : i32
      %dma_wait3A_32 = arith.constant 0 : i32
      %dma_wait3A_33 = tpu.memref_slice %arg5[%add3A, %dma_wait3A_31, %dma_wait3A_32] : memref<32x80x128xi32, #tpu.memory_space<hbm>> -> memref<1x80x128xi32, #tpu.memory_space<hbm>>
      %dma_wait3A_34 = tpu.memref_squeeze %dma_wait3A_33 : memref<1x80x128xi32, #tpu.memory_space<hbm>> -> memref<80x128xi32, #tpu.memory_space<hbm>>
      tpu.wait_dma2 semaphore(%run_scoped3A : memref<!tpu.dma_semaphore, #tpu.memory_space<semaphore_mem>>) src(%dma_wait3A_34 : memref<80x128xi32, #tpu.memory_space<hbm>>) dst(%arg8 : memref<80x128xi32, #tpu.memory_space<vmem>>)
      tpu.yield
    }) : () -> ()
    %eq3A = arith.constant 0 : i32
    %eq3A_1 = arith.cmpi eq, %arg0, %eq3A : i32
    %convert_element_type3A = arith.extui %eq3A_1 : i1 to i32
    %cond3A = arith.constant 0 : i32
    %cond3A_2 = arith.cmpi ne, %convert_element_type3A, %cond3A : i32
    scf.if %cond3A_2 {
      %mul3A_21 = arith.constant 640 : i32
      %mul3A_22 = arith.muli %arg1, %mul3A_21 : i32
      %mul3A_23 = arith.constant 640 : i32
      %mul3A_24 = arith.muli %arg1, %mul3A_23 : i32
      "tpu.region"() ({
        %run_scoped3A = tpu.sem_alloc : memref<!tpu.dma_semaphore, #tpu.memory_space<semaphore_mem>>
        %dma_start3A = arith.constant 0 : i32
        %dma_start3A_25 = tpu.memref_slice %arg10[%mul3A_24, %dma_start3A] : memref<10240x128xf32, #tpu.memory_space<vmem_shared>> -> memref<640x128xf32, #tpu.memory_space<vmem_shared>>
        %dma_start3A_26 = arith.constant 0 : i32
        %dma_start3A_27 = tpu.memref_slice %arg2[%mul3A_22, %dma_start3A_26] : memref<10240x128xf32, #tpu.memory_space<hbm>> -> memref<640x128xf32, #tpu.memory_space<hbm>>
        tpu.enqueue_dma source(%dma_start3A_27 : memref<640x128xf32, #tpu.memory_space<hbm>>) target(%dma_start3A_25 : memref<640x128xf32, #tpu.memory_space<vmem_shared>>) target_semaphore(%run_scoped3A : memref<!tpu.dma_semaphore, #tpu.memory_space<semaphore_mem>>)
        %dma_wait3A = arith.constant 0 : i32
        %dma_wait3A_28 = tpu.memref_slice %arg10[%mul3A_24, %dma_wait3A] : memref<10240x128xf32, #tpu.memory_space<vmem_shared>> -> memref<640x128xf32, #tpu.memory_space<vmem_shared>>
        %dma_wait3A_29 = arith.constant 0 : i32
        %dma_wait3A_30 = tpu.memref_slice %arg2[%mul3A_22, %dma_wait3A_29] : memref<10240x128xf32, #tpu.memory_space<hbm>> -> memref<640x128xf32, #tpu.memory_space<hbm>>
        tpu.wait_dma2 semaphore(%run_scoped3A : memref<!tpu.dma_semaphore, #tpu.memory_space<semaphore_mem>>) src(%dma_wait3A_30 : memref<640x128xf32, #tpu.memory_space<hbm>>) dst(%dma_wait3A_28 : memref<640x128xf32, #tpu.memory_space<vmem_shared>>)
        tpu.yield
      }) : () -> ()
    } else {
    }
    %eq3A_3 = arith.constant 1 : i32
    %eq3A_4 = arith.cmpi eq, %arg0, %eq3A_3 : i32
    %convert_element_type3A_5 = arith.extui %eq3A_4 : i1 to i32
    %cond3A_6 = arith.constant 0 : i32
    %cond3A_7 = arith.cmpi ne, %convert_element_type3A_5, %cond3A_6 : i32
    scf.if %cond3A_7 {
      %mul3A_21 = arith.constant 640 : i32
      %mul3A_22 = arith.muli %arg1, %mul3A_21 : i32
      "tpu.region"() ({
        %run_scoped3A = tpu.sem_alloc : memref<!tpu.dma_semaphore, #tpu.memory_space<semaphore_mem>>
        %dma_start3A = arith.constant 0 : i32
        %dma_start3A_23 = tpu.memref_slice %arg10[%mul3A_22, %dma_start3A] : memref<10240x128xf32, #tpu.memory_space<vmem_shared>> -> memref<640x128xf32, #tpu.memory_space<vmem_shared>>
        tpu.enqueue_dma source(%arg3 : memref<640x128xf32, #tpu.memory_space<hbm>>) target(%dma_start3A_23 : memref<640x128xf32, #tpu.memory_space<vmem_shared>>) target_semaphore(%run_scoped3A : memref<!tpu.dma_semaphore, #tpu.memory_space<semaphore_mem>>)
        %dma_wait3A = arith.constant 0 : i32
        %dma_wait3A_24 = tpu.memref_slice %arg10[%mul3A_22, %dma_wait3A] : memref<10240x128xf32, #tpu.memory_space<vmem_shared>> -> memref<640x128xf32, #tpu.memory_space<vmem_shared>>
        tpu.wait_dma2 semaphore(%run_scoped3A : memref<!tpu.dma_semaphore, #tpu.memory_space<semaphore_mem>>) src(%arg3 : memref<640x128xf32, #tpu.memory_space<hbm>>) dst(%dma_wait3A_24 : memref<640x128xf32, #tpu.memory_space<vmem_shared>>)
        tpu.yield
      }) : () -> ()
    } else {
    }
    %barrier3A = arith.constant 0 : index
    tpu.barrier barrier_id(%barrier3A)
    %scan3A = arith.constant 0 : i32
    %scan3A_8 = arith.constant 0 : i32
    %scan3A_9 = arith.constant 80 : i32
    %scan3A_10 = arith.addi %scan3A_8, %scan3A_9 : i32
    %scan3A_11 = arith.constant 1 : i32
    scf.for %scan3A_21 = %scan3A_8 to %scan3A_10 step %scan3A_11  : i32 {
      %dma_start3A = arith.constant 0 : i32
      %dma_start3A_22 = tpu.memref_slice %arg7[%scan3A_21, %dma_start3A] : memref<80x128xi32, #tpu.memory_space<vmem>> -> memref<1x128xi32, #tpu.memory_space<vmem>>
      %dma_start3A_23 = tpu.memref_squeeze %dma_start3A_22 : memref<1x128xi32, #tpu.memory_space<vmem>> -> memref<128xi32, #tpu.memory_space<vmem>>
      %dma_start3A_24 = arith.constant 0 : i32
      %dma_start3A_25 = arith.constant 0 : i32
      %dma_start3A_26 = tpu.memref_slice %arg2[%dma_start3A_24, %dma_start3A_25] : memref<10240x128xf32, #tpu.memory_space<hbm>> -> memref<10240x128xf32, #tpu.memory_space<hbm>>
      tpu.enqueue_indirect_dma source(%dma_start3A_26 : memref<10240x128xf32, #tpu.memory_space<hbm>>) target(%arg9 : memref<128x128xf32, #tpu.memory_space<vmem>>) offsets(%dma_start3A_23 : memref<128xi32, #tpu.memory_space<vmem>>) semaphore(%arg11 : memref<!tpu.dma_semaphore, #tpu.memory_space<semaphore_mem>>)
      %dma_wait3A = arith.constant 0 : i32
      %dma_wait3A_27 = tpu.memref_slice %arg7[%scan3A_21, %dma_wait3A] : memref<80x128xi32, #tpu.memory_space<vmem>> -> memref<1x128xi32, #tpu.memory_space<vmem>>
      %dma_wait3A_28 = tpu.memref_squeeze %dma_wait3A_27 : memref<1x128xi32, #tpu.memory_space<vmem>> -> memref<128xi32, #tpu.memory_space<vmem>>
      %dma_wait3A_29 = arith.constant 0 : i32
      %dma_wait3A_30 = arith.constant 0 : i32
      %dma_wait3A_31 = tpu.memref_slice %arg2[%dma_wait3A_29, %dma_wait3A_30] : memref<10240x128xf32, #tpu.memory_space<hbm>> -> memref<10240x128xf32, #tpu.memory_space<hbm>>
      tpu.wait_indirect_dma semaphore(%arg11 : memref<!tpu.dma_semaphore, #tpu.memory_space<semaphore_mem>>) src(%dma_wait3A_31 : memref<10240x128xf32, #tpu.memory_space<hbm>>) dst(%arg9 : memref<128x128xf32, #tpu.memory_space<vmem>>)
      "tpu.region"() ({
        %run_scoped3A = tpu.sem_alloc : memref<!tpu.dma_semaphore, #tpu.memory_space<semaphore_mem>>
        %dma_start3A_32 = arith.constant 0 : i32
        %dma_start3A_33 = tpu.memref_slice %arg8[%scan3A_21, %dma_start3A_32] : memref<80x128xi32, #tpu.memory_space<vmem>> -> memref<1x128xi32, #tpu.memory_space<vmem>>
        %dma_start3A_34 = tpu.memref_squeeze %dma_start3A_33 : memref<1x128xi32, #tpu.memory_space<vmem>> -> memref<128xi32, #tpu.memory_space<vmem>>
        %dma_start3A_35 = arith.constant 0 : i32
        %dma_start3A_36 = arith.constant 0 : i32
        %dma_start3A_37 = tpu.memref_slice %arg10[%dma_start3A_35, %dma_start3A_36] : memref<10240x128xf32, #tpu.memory_space<vmem_shared>> -> memref<10240x128xf32, #tpu.memory_space<vmem_shared>>
        tpu.enqueue_indirect_dma source(%arg9 : memref<128x128xf32, #tpu.memory_space<vmem>>) target(%dma_start3A_37 : memref<10240x128xf32, #tpu.memory_space<vmem_shared>>) offsets(%dma_start3A_34 : memref<128xi32, #tpu.memory_space<vmem>>) semaphore(%run_scoped3A : memref<!tpu.dma_semaphore, #tpu.memory_space<semaphore_mem>>) {add = true}
        %dma_wait3A_38 = arith.constant 0 : i32
        %dma_wait3A_39 = tpu.memref_slice %arg8[%scan3A_21, %dma_wait3A_38] : memref<80x128xi32, #tpu.memory_space<vmem>> -> memref<1x128xi32, #tpu.memory_space<vmem>>
        %dma_wait3A_40 = tpu.memref_squeeze %dma_wait3A_39 : memref<1x128xi32, #tpu.memory_space<vmem>> -> memref<128xi32, #tpu.memory_space<vmem>>
        %dma_wait3A_41 = arith.constant 0 : i32
        %dma_wait3A_42 = arith.constant 0 : i32
        %dma_wait3A_43 = tpu.memref_slice %arg10[%dma_wait3A_41, %dma_wait3A_42] : memref<10240x128xf32, #tpu.memory_space<vmem_shared>> -> memref<10240x128xf32, #tpu.memory_space<vmem_shared>>
        tpu.wait_indirect_dma semaphore(%run_scoped3A : memref<!tpu.dma_semaphore, #tpu.memory_space<semaphore_mem>>) src(%arg9 : memref<128x128xf32, #tpu.memory_space<vmem>>) dst(%dma_wait3A_43 : memref<10240x128xf32, #tpu.memory_space<vmem_shared>>)
        tpu.yield
      }) : () -> ()
    }
    %scan3A_12 = arith.constant 80 : i32
    %barrier3A_13 = arith.constant 0 : index
    tpu.barrier barrier_id(%barrier3A_13)
    %mul3A_14 = arith.constant 640 : i32
    %mul3A_15 = arith.muli %arg1, %mul3A_14 : i32
    %mul3A_16 = arith.constant 10240 : i32
    %mul3A_17 = arith.muli %arg0, %mul3A_16 : i32
    %mul3A_18 = arith.constant 640 : i32
    %mul3A_19 = arith.muli %arg1, %mul3A_18 : i32
    %add3A_20 = arith.addi %mul3A_17, %mul3A_19 : i32
    "tpu.region"() ({
      %run_scoped3A = tpu.sem_alloc : memref<!tpu.dma_semaphore, #tpu.memory_space<semaphore_mem>>
      %dma_start3A = arith.constant 0 : i32
      %dma_start3A_21 = tpu.memref_slice %arg6[%add3A_20, %dma_start3A] : memref<20480x128xf32, #tpu.memory_space<hbm>> -> memref<640x128xf32, #tpu.memory_space<hbm>>
      %dma_start3A_22 = arith.constant 0 : i32
      %dma_start3A_23 = tpu.memref_slice %arg10[%mul3A_15, %dma_start3A_22] : memref<10240x128xf32, #tpu.memory_space<vmem_shared>> -> memref<640x128xf32, #tpu.memory_space<vmem_shared>>
      tpu.enqueue_dma source(%dma_start3A_23 : memref<640x128xf32, #tpu.memory_space<vmem_shared>>) target(%dma_start3A_21 : memref<640x128xf32, #tpu.memory_space<hbm>>) target_semaphore(%run_scoped3A : memref<!tpu.dma_semaphore, #tpu.memory_space<semaphore_mem>>)
      %dma_wait3A = arith.constant 0 : i32
      %dma_wait3A_24 = tpu.memref_slice %arg6[%add3A_20, %dma_wait3A] : memref<20480x128xf32, #tpu.memory_space<hbm>> -> memref<640x128xf32, #tpu.memory_space<hbm>>
      %dma_wait3A_25 = arith.constant 0 : i32
      %dma_wait3A_26 = tpu.memref_slice %arg10[%mul3A_15, %dma_wait3A_25] : memref<10240x128xf32, #tpu.memory_space<vmem_shared>> -> memref<640x128xf32, #tpu.memory_space<vmem_shared>>
      tpu.wait_dma2 semaphore(%run_scoped3A : memref<!tpu.dma_semaphore, #tpu.memory_space<semaphore_mem>>) src(%dma_wait3A_26 : memref<640x128xf32, #tpu.memory_space<vmem_shared>>) dst(%dma_wait3A_24 : memref<640x128xf32, #tpu.memory_space<hbm>>)
      tpu.yield
    }) : () -> ()
    return
  }
}

module attributes {stable_mosaic.version = 14 : i64} {
  func.func @_tc1_body(%arg0: i32, %arg1: memref<512x128xf32, #tpu.memory_space<vmem>>, %arg2: memref<128x128xf32, #tpu.memory_space<vmem>>, %arg3: memref<2x512x8xf32, #tpu.memory_space<vmem>>, %arg4: memref<512x128xf32, #tpu.memory_space<vmem>>) attributes {dimension_semantics = [#tpu.dimension_semantics<arbitrary>], iteration_bounds = array<i64: 20>, scalar_prefetch = 0 : i64, scratch_operands = 0 : i64, tpu.core_type = #tpu.core_type<tc>, window_params = [{transform_indices = @transform_0, window_bounds = array<i64: 512, 128>}, {pipeline_mode = #tpu.pipeline_mode<synchronous>, transform_indices = @transform_1, window_bounds = array<i64: 128, 128>}, {transform_indices = @transform_2, window_bounds = array<i64: 2, 512, 8>}, {transform_indices = @transform_3, window_bounds = array<i64: 512, 128>}]} {
    %get3A = arith.constant 0 : index
    %get3A_0 = arith.constant 0 : index
    %get3A_1 = arith.constant 0 : index
    %get3A_2 = vector.load %arg3[%get3A, %get3A_0, %get3A_1] : memref<2x512x8xf32, #tpu.memory_space<vmem>>, vector<1x512x1xf32>
    %get3A_3 = vector.shape_cast %get3A_2 : vector<1x512x1xf32> to vector<512xf32>
    %get3A_4 = arith.constant 1 : index
    %get3A_5 = arith.constant 0 : index
    %get3A_6 = arith.constant 0 : index
    %get3A_7 = vector.load %arg3[%get3A_4, %get3A_5, %get3A_6] : memref<2x512x8xf32, #tpu.memory_space<vmem>>, vector<1x512x1xf32>
    %get3A_8 = vector.shape_cast %get3A_7 : vector<1x512x1xf32> to vector<512xf32>
    %add3A = arith.addf %get3A_3, %get3A_8 : vector<512xf32>
    %add3A_9 = arith.constant 1.000000e+00 : f32
    %add3A_10 = vector.broadcast %add3A_9 : f32 to vector<512xf32>
    %add3A_11 = arith.addf %add3A, %add3A_10 : vector<512xf32>
    %rsqrt3A = math.rsqrt %add3A_11 : vector<512xf32>
    %get3A_12 = arith.constant 0 : index
    %get3A_13 = arith.constant 0 : index
    %get3A_14 = vector.load %arg1[%get3A_12, %get3A_13] : memref<512x128xf32, #tpu.memory_space<vmem>>, vector<512x128xf32>
    %get3A_15 = arith.constant 0 : index
    %get3A_16 = arith.constant 0 : index
    %get3A_17 = vector.load %arg2[%get3A_15, %get3A_16] : memref<128x128xf32, #tpu.memory_space<vmem>>, vector<128x128xf32>
    %dot_general3A = arith.constant dense<0.000000e+00> : vector<512x128xf32>
    %dot_general3A_18 = tpu.matmul %get3A_14, %get3A_17, %dot_general3A {dimension_numbers = #tpu.dot_dimension_numbers<[1], [0], [0], [1], [0, 0, 1, 1], [], []>, transpose_lhs_hint = false} : vector<512x128xf32>, vector<128x128xf32>, vector<512x128xf32> -> vector<512x128xf32>
    %broadcast_in_dim3A = vector.shape_cast %rsqrt3A : vector<512xf32> to vector<512x1xf32>
    %mul3A = vector.broadcast %broadcast_in_dim3A : vector<512x1xf32> to vector<512x128xf32>
    %mul3A_19 = arith.mulf %dot_general3A_18, %mul3A : vector<512x128xf32>
    %swap3A = arith.constant 0 : index
    %swap3A_20 = arith.constant 0 : index
    %swap3A_21 = vector.load %arg4[%swap3A, %swap3A_20] : memref<512x128xf32, #tpu.memory_space<vmem>>, vector<512x128xf32>
    tpu.vector_store %arg4[%swap3A, %swap3A_20], %mul3A_19 {strides = array<i32>} : memref<512x128xf32, #tpu.memory_space<vmem>>, vector<512x128xf32>,
    return
  }
  func.func @transform_0(%arg0: i32) -> (i32, i32) {
    %c0_i32 = arith.constant 0 : i32
    %c0_i32_0 = arith.constant 0 : i32
    return %arg0, %c0_i32 : i32, i32
  }
  func.func @transform_1(%arg0: i32) -> (i32, i32) {
    %c0_i32 = arith.constant 0 : i32
    %c0_i32_0 = arith.constant 0 : i32
    %c0_i32_1 = arith.constant 0 : i32
    return %c0_i32, %c0_i32_0 : i32, i32
  }
  func.func @transform_2(%arg0: i32) -> (i32, i32, i32) {
    %c0_i32 = arith.constant 0 : i32
    %c0_i32_0 = arith.constant 0 : i32
    %c0_i32_1 = arith.constant 0 : i32
    return %c0_i32, %arg0, %c0_i32_0 : i32, i32, i32
  }
  func.func @transform_3(%arg0: i32) -> (i32, i32) {
    %c0_i32 = arith.constant 0 : i32
    %c0_i32_0 = arith.constant 0 : i32
    return %arg0, %c0_i32 : i32, i32
  }
}

module attributes {stable_mosaic.version = 14 : i64} {
  func.func @_tc3_body(%arg0: i32, %arg1: memref<2x512x128xf32, #tpu.memory_space<vmem>>, %arg2: memref<1x64xf32, #tpu.memory_space<vmem>>, %arg3: memref<2x512x8xf32, #tpu.memory_space<vmem>>, %arg4: memref<512x64xf32, #tpu.memory_space<vmem>>) attributes {dimension_semantics = [#tpu.dimension_semantics<arbitrary>], iteration_bounds = array<i64: 20>, scalar_prefetch = 0 : i64, scratch_operands = 0 : i64, tpu.core_type = #tpu.core_type<tc>, window_params = [{transform_indices = @transform_0, window_bounds = array<i64: 2, 512, 128>}, {pipeline_mode = #tpu.pipeline_mode<synchronous>, transform_indices = @transform_1, window_bounds = array<i64: 1, 64>}, {transform_indices = @transform_2, window_bounds = array<i64: 2, 512, 8>}, {transform_indices = @transform_3, window_bounds = array<i64: 512, 64>}]} {
    %get3A = arith.constant 0 : index
    %get3A_0 = arith.constant 0 : index
    %get3A_1 = arith.constant 0 : index
    %get3A_2 = vector.load %arg3[%get3A, %get3A_0, %get3A_1] : memref<2x512x8xf32, #tpu.memory_space<vmem>>, vector<1x512x1xf32>
    %get3A_3 = vector.shape_cast %get3A_2 : vector<1x512x1xf32> to vector<512xf32>
    %get3A_4 = arith.constant 1 : index
    %get3A_5 = arith.constant 0 : index
    %get3A_6 = arith.constant 0 : index
    %get3A_7 = vector.load %arg3[%get3A_4, %get3A_5, %get3A_6] : memref<2x512x8xf32, #tpu.memory_space<vmem>>, vector<1x512x1xf32>
    %get3A_8 = vector.shape_cast %get3A_7 : vector<1x512x1xf32> to vector<512xf32>
    %add3A = arith.addf %get3A_3, %get3A_8 : vector<512xf32>
    %add3A_9 = arith.constant 1.000000e+00 : f32
    %add3A_10 = vector.broadcast %add3A_9 : f32 to vector<512xf32>
    %add3A_11 = arith.addf %add3A, %add3A_10 : vector<512xf32>
    %rsqrt3A = math.rsqrt %add3A_11 : vector<512xf32>
    %get3A_12 = arith.constant 0 : index
    %get3A_13 = arith.constant 0 : index
    %get3A_14 = arith.constant 0 : index
    %get3A_15 = vector.load %arg1[%get3A_12, %get3A_13, %get3A_14] : memref<2x512x128xf32, #tpu.memory_space<vmem>>, vector<1x512x64xf32>
    %get3A_16 = vector.shape_cast %get3A_15 : vector<1x512x64xf32> to vector<512x64xf32>
    %get3A_17 = arith.constant 1 : index
    %get3A_18 = arith.constant 0 : index
    %get3A_19 = arith.constant 0 : index
    %get3A_20 = vector.load %arg1[%get3A_17, %get3A_18, %get3A_19] : memref<2x512x128xf32, #tpu.memory_space<vmem>>, vector<1x512x64xf32>
    %get3A_21 = vector.shape_cast %get3A_20 : vector<1x512x64xf32> to vector<512x64xf32>
    %add3A_22 = arith.addf %get3A_16, %get3A_21 : vector<512x64xf32>
    %broadcast_in_dim3A = vector.shape_cast %rsqrt3A : vector<512xf32> to vector<512x1xf32>
    %mul3A = vector.broadcast %broadcast_in_dim3A : vector<512x1xf32> to vector<512x64xf32>
    %mul3A_23 = arith.mulf %add3A_22, %mul3A : vector<512x64xf32>
    %get3A_24 = arith.constant 0 : index
    %get3A_25 = arith.constant 0 : index
    %get3A_26 = vector.load %arg2[%get3A_24, %get3A_25] : memref<1x64xf32, #tpu.memory_space<vmem>>, vector<1x64xf32>
    %get3A_27 = vector.shape_cast %get3A_26 : vector<1x64xf32> to vector<64xf32>
    %broadcast_in_dim3A_28 = vector.shape_cast %get3A_27 : vector<64xf32> to vector<1x64xf32>
    %add3A_29 = vector.broadcast %broadcast_in_dim3A_28 : vector<1x64xf32> to vector<512x64xf32>
    %add3A_30 = arith.addf %mul3A_23, %add3A_29 : vector<512x64xf32>
    %swap3A = arith.constant 0 : index
    %swap3A_31 = arith.constant 0 : index
    %swap3A_32 = vector.load %arg4[%swap3A, %swap3A_31] : memref<512x64xf32, #tpu.memory_space<vmem>>, vector<512x64xf32>
    tpu.vector_store %arg4[%swap3A, %swap3A_31], %add3A_30 {strides = array<i32>} : memref<512x64xf32, #tpu.memory_space<vmem>>, vector<512x64xf32>,
    return
  }
  func.func @transform_0(%arg0: i32) -> (i32, i32, i32) {
    %c0_i32 = arith.constant 0 : i32
    %c0_i32_0 = arith.constant 0 : i32
    %c0_i32_1 = arith.constant 0 : i32
    return %c0_i32, %arg0, %c0_i32_0 : i32, i32, i32
  }
  func.func @transform_1(%arg0: i32) -> (i32, i32) {
    %c0_i32 = arith.constant 0 : i32
    %c0_i32_0 = arith.constant 0 : i32
    %c0_i32_1 = arith.constant 0 : i32
    return %c0_i32, %c0_i32_0 : i32, i32
  }
  func.func @transform_2(%arg0: i32) -> (i32, i32, i32) {
    %c0_i32 = arith.constant 0 : i32
    %c0_i32_0 = arith.constant 0 : i32
    %c0_i32_1 = arith.constant 0 : i32
    return %c0_i32, %arg0, %c0_i32_0 : i32, i32, i32
  }
  func.func @transform_3(%arg0: i32) -> (i32, i32) {
    %c0_i32 = arith.constant 0 : i32
    %c0_i32_0 = arith.constant 0 : i32
    return %arg0, %c0_i32 : i32, i32
  }
}

module attributes {stable_mosaic.version = 14 : i64} {
  func.func @_tc2_body(%arg0: i32, %arg1: memref<2x512x128xf32, #tpu.memory_space<vmem>>, %arg2: memref<128x64xf32, #tpu.memory_space<vmem>>, %arg3: memref<1x128xf32, #tpu.memory_space<vmem>>, %arg4: memref<2x512x8xf32, #tpu.memory_space<vmem>>, %arg5: memref<512x128xf32, #tpu.memory_space<vmem>>) attributes {dimension_semantics = [#tpu.dimension_semantics<arbitrary>], iteration_bounds = array<i64: 20>, scalar_prefetch = 0 : i64, scratch_operands = 0 : i64, tpu.core_type = #tpu.core_type<tc>, window_params = [{transform_indices = @transform_0, window_bounds = array<i64: 2, 512, 128>}, {pipeline_mode = #tpu.pipeline_mode<synchronous>, transform_indices = @transform_1, window_bounds = array<i64: 128, 64>}, {pipeline_mode = #tpu.pipeline_mode<synchronous>, transform_indices = @transform_2, window_bounds = array<i64: 1, 128>}, {transform_indices = @transform_3, window_bounds = array<i64: 2, 512, 8>}, {transform_indices = @transform_4, window_bounds = array<i64: 512, 128>}]} {
    %get3A = arith.constant 0 : index
    %get3A_0 = arith.constant 0 : index
    %get3A_1 = arith.constant 0 : index
    %get3A_2 = vector.load %arg4[%get3A, %get3A_0, %get3A_1] : memref<2x512x8xf32, #tpu.memory_space<vmem>>, vector<1x512x1xf32>
    %get3A_3 = vector.shape_cast %get3A_2 : vector<1x512x1xf32> to vector<512xf32>
    %get3A_4 = arith.constant 1 : index
    %get3A_5 = arith.constant 0 : index
    %get3A_6 = arith.constant 0 : index
    %get3A_7 = vector.load %arg4[%get3A_4, %get3A_5, %get3A_6] : memref<2x512x8xf32, #tpu.memory_space<vmem>>, vector<1x512x1xf32>
    %get3A_8 = vector.shape_cast %get3A_7 : vector<1x512x1xf32> to vector<512xf32>
    %add3A = arith.addf %get3A_3, %get3A_8 : vector<512xf32>
    %add3A_9 = arith.constant 1.000000e+00 : f32
    %add3A_10 = vector.broadcast %add3A_9 : f32 to vector<512xf32>
    %add3A_11 = arith.addf %add3A, %add3A_10 : vector<512xf32>
    %rsqrt3A = math.rsqrt %add3A_11 : vector<512xf32>
    %get3A_12 = arith.constant 0 : index
    %get3A_13 = arith.constant 0 : index
    %get3A_14 = arith.constant 0 : index
    %get3A_15 = vector.load %arg1[%get3A_12, %get3A_13, %get3A_14] : memref<2x512x128xf32, #tpu.memory_space<vmem>>, vector<1x512x128xf32>
    %get3A_16 = vector.shape_cast %get3A_15 : vector<1x512x128xf32> to vector<512x128xf32>
    %get3A_17 = arith.constant 1 : index
    %get3A_18 = arith.constant 0 : index
    %get3A_19 = arith.constant 0 : index
    %get3A_20 = vector.load %arg1[%get3A_17, %get3A_18, %get3A_19] : memref<2x512x128xf32, #tpu.memory_space<vmem>>, vector<1x512x128xf32>
    %get3A_21 = vector.shape_cast %get3A_20 : vector<1x512x128xf32> to vector<512x128xf32>
    %add3A_22 = arith.addf %get3A_16, %get3A_21 : vector<512x128xf32>
    %broadcast_in_dim3A = vector.shape_cast %rsqrt3A : vector<512xf32> to vector<512x1xf32>
    %mul3A = vector.broadcast %broadcast_in_dim3A : vector<512x1xf32> to vector<512x128xf32>
    %mul3A_23 = arith.mulf %add3A_22, %mul3A : vector<512x128xf32>
    %get3A_24 = arith.constant 0 : index
    %get3A_25 = arith.constant 0 : index
    %get3A_26 = vector.load %arg3[%get3A_24, %get3A_25] : memref<1x128xf32, #tpu.memory_space<vmem>>, vector<1x128xf32>
    %get3A_27 = vector.shape_cast %get3A_26 : vector<1x128xf32> to vector<128xf32>
    %broadcast_in_dim3A_28 = vector.shape_cast %get3A_27 : vector<128xf32> to vector<1x128xf32>
    %add3A_29 = vector.broadcast %broadcast_in_dim3A_28 : vector<1x128xf32> to vector<512x128xf32>
    %add3A_30 = arith.addf %mul3A_23, %add3A_29 : vector<512x128xf32>
    %get3A_31 = arith.constant 0 : index
    %get3A_32 = arith.constant 0 : index
    %get3A_33 = vector.load %arg2[%get3A_31, %get3A_32] : memref<128x64xf32, #tpu.memory_space<vmem>>, vector<128x64xf32>
    %dot_general3A = arith.constant dense<0.000000e+00> : vector<512x64xf32>
    %dot_general3A_34 = tpu.matmul %add3A_30, %get3A_33, %dot_general3A {dimension_numbers = #tpu.dot_dimension_numbers<[1], [0], [0], [1], [0, 0, 1, 1], [], []>, transpose_lhs_hint = false} : vector<512x128xf32>, vector<128x64xf32>, vector<512x64xf32> -> vector<512x64xf32>
    %broadcast_in_dim3A_35 = vector.shape_cast %rsqrt3A : vector<512xf32> to vector<512x1xf32>
    %mul3A_36 = vector.broadcast %broadcast_in_dim3A_35 : vector<512x1xf32> to vector<512x64xf32>
    %mul3A_37 = arith.mulf %dot_general3A_34, %mul3A_36 : vector<512x64xf32>
    %broadcast_in_dim3A_38 = arith.constant 0.000000e+00 : f32
    %broadcast_in_dim3A_39 = vector.broadcast %broadcast_in_dim3A_38 : f32 to vector<512x64xf32>
    %concatenate3A = tpu.concatenate %mul3A_37, %broadcast_in_dim3A_39 in 1 : vector<512x64xf32>, vector<512x64xf32> -> vector<512x128xf32>
    %swap3A = arith.constant 0 : index
    %swap3A_40 = arith.constant 0 : index
    %swap3A_41 = vector.load %arg5[%swap3A, %swap3A_40] : memref<512x128xf32, #tpu.memory_space<vmem>>, vector<512x128xf32>
    tpu.vector_store %arg5[%swap3A, %swap3A_40], %concatenate3A {strides = array<i32>} : memref<512x128xf32, #tpu.memory_space<vmem>>, vector<512x128xf32>,
    return
  }
  func.func @transform_0(%arg0: i32) -> (i32, i32, i32) {
    %c0_i32 = arith.constant 0 : i32
    %c0_i32_0 = arith.constant 0 : i32
    %c0_i32_1 = arith.constant 0 : i32
    return %c0_i32, %arg0, %c0_i32_0 : i32, i32, i32
  }
  func.func @transform_1(%arg0: i32) -> (i32, i32) {
    %c0_i32 = arith.constant 0 : i32
    %c0_i32_0 = arith.constant 0 : i32
    %c0_i32_1 = arith.constant 0 : i32
    return %c0_i32, %c0_i32_0 : i32, i32
  }
  func.func @transform_2(%arg0: i32) -> (i32, i32) {
    %c0_i32 = arith.constant 0 : i32
    %c0_i32_0 = arith.constant 0 : i32
    %c0_i32_1 = arith.constant 0 : i32
    return %c0_i32, %c0_i32_0 : i32, i32
  }
  func.func @transform_3(%arg0: i32) -> (i32, i32, i32) {
    %c0_i32 = arith.constant 0 : i32
    %c0_i32_0 = arith.constant 0 : i32
    %c0_i32_1 = arith.constant 0 : i32
    return %c0_i32, %arg0, %c0_i32_0 : i32, i32, i32
  }
  func.func @transform_4(%arg0: i32) -> (i32, i32) {
    %c0_i32 = arith.constant 0 : i32
    %c0_i32_0 = arith.constant 0 : i32
    return %arg0, %c0_i32 : i32, i32
  }
}

</mosaic_0001>

<sc_bundles>
// kernel: kernel.11.cloned.1.call-start
scs
__scs_entry_jumppad:
0x0: {  	(pc) =	sbr.rel $0x88, $3  }
0x1: {  	(tag) =	ssettag $0x0;
	lr =	simm.s32 $0x1  }
0x2: {  	[smem:$0x3F9B] =	sst lr;
	_ =	strace $0xD0000000  }
0x3: {  	_ = 	snop  }
0x4: {  	_ = 	snop  }
0x5: {  	_ = 	snop  }
0x6: {  	_ = 	snop  }
0x7: {  	_ = 	snop  }
__scs_overlays_trampoline_lowered:
0x8: {  	[smem:$0x3FAA] =	sst s0  }
0x9: {  	[smem:$0x3FAB] =	sst s1  }
0xa: {  	[smem:$0x3FAC] =	sst s2  }
0xb: {  	[smem:$0x3FAD] =	sst s3  }
0xc: {  	[smem:$0x3FAE] =	sst s4  }
0xd: {  	[smem:$0x3FAF] =	sst s5  }
0xe: {  	[smem:$0x3FB0] =	sst s6  }
0xf: {  	[smem:$0x3FB1] =	sst s7  }
0x10: {  	[smem:$0x3FB2] =	sst s8  }
0x11: {  	[smem:$0x3FB3] =	sst s9;
	s0 =	simm.s32 @!p0 $0x0  }
0x12: {  	s1 =	sld [smem:$0x3F99];
	s0 =	simm.s32 @p0 $0x1  }
0x13: {  	[smem:$0x3FB4] =	sst s0;
	s0 =	simm.s32 @!p1 $0x0  }
0x14: {  	s2 =	sld [smem:$0x3F98];
	s0 =	simm.s32 @p1 $0x1  }
0x15: {  	[smem:$0x3FB5] =	sst s0;
	s0 =	simm.s32 @!p2 $0x0  }
0x16: {  	s3 =	sld [smem:$0x3FDB];
	s0 =	simm.s32 @p2 $0x1  }
0x17: {  	s4 =	simm.s32 $0x1BF5;
	[smem:$0x3FB7] =	sst s0  }
0x18: {  	s0 =	sld [smem:$0x3F9A];
	_ =	swait.ge [sflag:s4], $0x0  }
0x19: {  	s7 =	sld [smem:$0x3F9B]  }
0x1a: {  	s8 =	sadd.s32 $0xFFFFE003, lr  }
0x1b: {  	s9 =	sadd.s32 $0xFFFFFEF7, lr;
	s5 =	simm.s32 $0xFFFFFFFF;
	p2 =	slt.u32 s8, $0xFFFFF086  }
0x1c: {  	p1 =	slt.u32 s9, $0xF7A;
	s5 =	simm.s32 @!p2 $0x0  }
0x1d: {  	s5 =	simm.s32 @p1 $0x1;
	p0 =	seq.s32 s7, s2  }
0x1e: {  	s7 =	smul.u32 @!p0 $0xF7A, s2;
	p2 =	seq.s32 @!p0 s5, $0x0  }
0x1f: {  	s9 =	smul.u32 $0xF7A, s1;
	s8 =	simm.s32 @!p0 $0x1BF5;
	p2 =	por !p2, p0  }
0x20: {  	[sflag:s8] =	ssyncset.s32 @!p0 $0xFFFFF086;
	s6 =	sadd.s32 @!p0 s3, s7;
	s7 =	simm.s32 @!p0 $0x108  }
0x21: {  	s3 =	sadd.s32 s3, s9;
	s6 =	sadd.s32 @!p0 $0x88, s6;
	s7 =	simm.s32 @p2 $0x1082  }
0x22: {  	[simem:s7], [sflag:s8] =	dma.local @!p0 [hbm:s6], $0xF7A  }
0x23: {  	s9 =	sor.u32 $0xD0000000, s2;
	s6 =	simm.s32 $0x108;
	_ =	swait.ge @!p0 [sflag:s8], $0x0  }
0x24: {  	s3 =	sadd.s32 $0x88, s3;
	s6 =	simm.s32 @!p1 $0x1082;
	[sflag:s4] =	ssyncset.s32 $0xFFFFF086  }
0x25: {  	[simem:s6], [sflag:s4] =	dma.local [hbm:s3], $0xF7A  }
0x26: {  	[smem:$0x3F9B] =	sst s1;
	(tag) =	ssettag s2;
	_ =	strace s9  }
0x27: {  	s1 =	sld [smem:$0x3FAB]  }
0x28: {  	s2 =	sld [smem:$0x3FAC]  }
0x29: {  	s4 =	sld [smem:$0x3FAE]  }
0x2a: {  	p0 =	seq.s32 s5, $0x0;
	s5 =	sld [smem:$0x3FAF]  }
0x2b: {  	s6 =	sld [smem:$0x3FB0]  }
0x2c: {  	s7 =	sld [smem:$0x3FB1]  }
0x2d: {  	s3 =	simm.s32 $0x108;
	s8 =	sld [smem:$0x3FB2]  }
0x2e: {  	s3 =	simm.s32 @!p0 $0x1082;
	s9 =	sld [smem:$0x3FB3]  }
0x2f: {  	lr =	sadd.s32 s0, s3;
	s0 =	sld [smem:$0x3FAA]  }
0x30: {  	s3 =	sld [smem:$0x3FAD]  }
0x31: {  	[smem:$0x3FB6] =	sst s10  }
0x32: {  	s10 =	sld [smem:$0x3FB4];
	_ =	sdelay $0x3  }
0x33: {  	p0 =	seq.s32 s10, $0x1;
	s10 =	sld [smem:$0x3FB6];
	_ =	sdelay $0x3  }
0x34: {  	[smem:$0x3FB6] =	sst s10  }
0x35: {  	s10 =	sld [smem:$0x3FB5];
	_ =	sdelay $0x3  }
0x36: {  	p1 =	seq.s32 s10, $0x1;
	s10 =	sld [smem:$0x3FB6];
	_ =	sdelay $0x3  }
0x37: {  	[smem:$0x3FB6] =	sst s10  }
0x38: {  	s10 =	sld [smem:$0x3FB7]  }
0x39: {  	_ = 	snop;
	(pc) =	sbr.ind lr, $3  }
0x3a: {  	_ = 	snop  }
0x3b: {  	_ = 	snop  }
0x3c: {  	p2 =	seq.s32 s10, $0x1;
	s10 =	sld [smem:$0x3FB6]  }
0x3d: {  	_ =	shalt  }
0x3e: {  	_ =	shalt  }
0x3f: {  	_ =	shalt  }
0x40: {  	_ =	shalt  }
0x41: {  	_ =	shalt  }
0x42: {  	_ =	shalt  }
0x43: {  	_ =	shalt  }
0x44: {  	_ =	shalt  }
0x45: {  	_ =	shalt  }
0x46: {  	_ =	shalt  }
0x47: {  	_ =	shalt  }
0x48: {  	_ =	shalt  }
0x49: {  	_ =	shalt  }
0x4a: {  	_ =	shalt  }
0x4b: {  	_ =	shalt  }
0x4c: {  	_ =	shalt  }
0x4d: {  	_ =	shalt  }
0x4e: {  	_ =	shalt  }
0x4f: {  	_ =	shalt  }
0x50: {  	_ =	shalt  }
0x51: {  	_ =	shalt  }
0x52: {  	_ =	shalt  }
0x53: {  	_ =	shalt  }
0x54: {  	_ =	shalt  }
0x55: {  	_ =	shalt  }
0x56: {  	_ =	shalt  }
0x57: {  	_ =	shalt  }
0x58: {  	_ =	shalt  }
0x59: {  	_ =	shalt  }
0x5a: {  	_ =	shalt  }
0x5b: {  	_ =	shalt  }
0x5c: {  	_ =	shalt  }
0x5d: {  	_ =	shalt  }
0x5e: {  	_ =	shalt  }
0x5f: {  	_ =	shalt  }
0x60: {  	_ =	shalt  }
0x61: {  	_ =	shalt  }
0x62: {  	_ =	shalt  }
0x63: {  	_ =	shalt  }
0x64: {  	_ =	shalt  }
0x65: {  	_ =	shalt  }
0x66: {  	_ =	shalt  }
0x67: {  	_ =	shalt  }
0x68: {  	_ =	shalt  }
0x69: {  	_ =	shalt  }
0x6a: {  	_ =	shalt  }
0x6b: {  	_ =	shalt  }
0x6c: {  	_ =	shalt  }
0x6d: {  	_ =	shalt  }
0x6e: {  	_ =	shalt  }
0x6f: {  	_ =	shalt  }
0x70: {  	_ =	shalt  }
0x71: {  	_ =	shalt  }
0x72: {  	_ =	shalt  }
0x73: {  	_ =	shalt  }
0x74: {  	_ =	shalt  }
0x75: {  	_ =	shalt  }
0x76: {  	_ =	shalt  }
0x77: {  	_ =	shalt  }
0x78: {  	_ =	shalt  }
0x79: {  	_ =	shalt  }
0x7a: {  	_ =	shalt  }
0x7b: {  	_ =	shalt  }
0x7c: {  	_ =	shalt  }
0x7d: {  	_ =	shalt  }
0x7e: {  	_ =	shalt  }
0x7f: {  	_ =	shalt  }
0x80: {  	_ =	shalt  }
0x81: {  	_ =	shalt  }
0x82: {  	_ =	shalt  }
0x83: {  	_ =	shalt  }
0x84: {  	_ =	shalt  }
0x85: {  	_ =	shalt  }
0x86: {  	_ =	shalt  }
0x87: {  	_ =	shalt  }
.Lfunc_end0:
.L_simem_size_0:
called_computation.1_lowered:
.L_overlay_start_0:
0x88: {  	s2 =	sld [smem:$0x3FD9]  }
0x89: {  	s3 =	sld [smem:$0x3FFE];
	_ =	sdelay $0x1  }
0x8a: {  	s1 =	srdreg.scid  }
0x8b: {  	s0 =	sand.u32 $0x1, s1  }
0x8c: {  	s17 =	sshll.u32 s0, $0xA;
	s2 =	sadd.s32 s3, s2  }
0x8d: {  	s2 =	sadd.s32 s2, s17  }
0x8e: {  	[smem:$0x3FC2] =	sst s2  }
0x8f: {  	_ = 	snop  }
0x90: {  	s2 =	sld [smem:$0x3FD0];
	(tm) =	ssettm $0x1  }
0x91: {  	s18 =	sld [smem:$0x3FFB];
	_ =	sdelay $0x3  }
0x92: {  	_ =	strace s18  }
0x93: {  	s3 =	sld [smem:$0x3FFC];
	_ =	sdelay $0x3  }
0x94: {  	_ =	strace s3  }
0x95: {  	s3 =	sld [smem:$0x3FFD];
	_ =	sdelay $0x3  }
0x96: {  	_ =	strace s3  }
0x97: {  	_ =	strace $0x8FFFFFFF  }
0x98: {  	s19 =	sld [smem:$0x3FDB];
	_ =	sdelay $0x1  }
0x99: {  	s4 =	simm.s32 $_scs_section_size  }
0x9a: {  	s5 =	simm.s32 $_size__tile_overlayer_lowered;
	s6 =	simm.s32 $_tile_overlayer_lowered  }
0x9b: {  	s22 =	simm.s32 $0x1BFF;
	s21 =	sshll.u32 s6, $0x1;
	s3 =	sadd.s32 s4, s19  }
0x9c: {  	s7 =	simm.s32 $0x0;
	s20 =	sshll.u32 s5, $0x1;
	s5 =	sadd.s32 s21, s3  }
0x9d: {  	[timem:s7], [sflag:s22] =	dma.local [hbm:s5], s20  }
0x9e: {  	_ =	swait.ge [sflag:s22], s20  }
0x9f: {  	s4 =	ssub.s32 $0x0, s20;
	[sflag:s22] =	ssyncset.done $0x0  }
0xa0: {  	[sflag:s22] =	ssyncadd.s32 s4;
	_ =	sdelay $0x1  }
0xa1: {  	s23 =	simm.s32 $0x1B8B  }
0xa2: {  	_ =	swait.ge [sflag:s23], $0x1  }
0xa3: {  	[sflag:s23] =	ssyncset.done $0x0  }
0xa4: {  	s25 =	simm.s32 $0x1B8E;
	s24 =	sld [smem:$0x3FFE];
	[sflag:s23] =	ssyncadd.s32 $0xFFFFFFFF  }
0xa5: {  	s26 =	simm.s32 $execute0_lowered;
	[smem:$0x3FD2] =	sst s25  }
0xa6: {  	s5 =	sshll.u32 s26, $0x1;
	_ =	strace $0x80000049;
	[dreg:$0x1] =	wrdreg $0xFFFFFFFF  }
0xa7: {  	s28 =	simm.s32 $_size_execute0_lowered;
	s3 =	sadd.s32 s3, s5;
	[dreg:$0x0] =	wrdreg $0x0  }
0xa8: {  	s5 =	sshll.u32 s28, $0x1;
	[dreg:$0x2] =	wrdreg s3  }
0xa9: {  	[dreg:$0x3] =	wrdreg s5  }
0xaa: {  	[dreg:$0x4] =	wrdreg $0xC0  }
0xab: {  	_ =	task [dreg:s7], $0x5FFFF  }
0xac: {  	[dreg:$0x1] =	wrdreg $0xFFFFFFFF  }
0xad: {  	[dreg:$0x0] =	wrdreg $0x60  }
0xae: {  	[dreg:$0x2] =	wrdreg s24  }
0xaf: {  	[dreg:$0x3] =	wrdreg s2  }
0xb0: {  	[dreg:$0x4] =	wrdreg $0x90000  }
0xb1: {  	[dreg:$0x5] =	wrdreg $0x9  }
0xb2: {  	_ =	task.clear_ibuf [dreg:s7], $0x6FFFF;
	_ =	strace $0x90000049  }
0xb3: {  	s29 =	simm.s32 $0x9;
	_ =	strace $0x8000004B  }
0xb4: {  	_ =	swait.ge [sflag:s29], $0x1  }
0xb5: {  	[sflag:s29] =	ssyncadd.s32 $0xFFFFFFFF  }
0xb6: {  	_ =	strace $0x9000004B  }
0xb7: {  	_ =	sfence  }
0xb8: {  	s30 =	sld [smem:$0x0];
	_ =	sdelay $0x2  }
0xb9: {  	s31 =	sshll.u32 s1, $0xD;
	s1 =	sshrl.u32 s1, $0x2  }
0xba: {  	s3 =	sand.u32 $0x4000, s31;
	s1 =	sadd.s32 s1, s30  }
0xbb: {  	s0 =	sor.u32 s3, s0;
	s1 =	sshll.u32 s1, $0x11  }
0xbc: {  	s0 =	sor.u32 s1, s0  }
0xbd: {  	s0 =	sadd.s32 $0x8F2B, s0  }
0xbe: {  	[sflag:s0] =	ssyncadd.remote.s32 $0x1  }
0xbf: {  	_ =	sfence.sel $0xFFFF  }
0xc0: {  	[dreg:$0x0] =	wrdreg $0xFFFFFFFF;
	(pc) =	sbr.abs _section_cstart, $3  }
0xc1: {  	[dreg:$0x1] =	wrdreg $0xFFFFFFFF  }
0xc2: {  	_ =	task.clear_ibuf [dreg:s7], $0x2FFFF;
	_ =	strace $0x9FFFFFFF  }
0xc3: {  	(tm) =	ssettm $0x7FFFFFFF  }
tec
execute0_lowered:
.L_overlay_start_1:
0x0: {  	(tag) =	ssettag $0x1  }
0x1: {  	s5 =	rddreg [dreg:$0x0]  }
0x2: {  	s6 =	rddreg [dreg:$0x1]  }
0x3: {  	s1 =	rddreg [dreg:$0x2]  }
0x4: {  	s0 =	rddreg [dreg:$0x3];
	s3 =	simm.s32 $0x0;
	s4 =	srdreg.scid  }
0x5: {  	s2 =	stileid.u32;
	s16 =	simm.s32 $0x1;
	s17 =	simm.s32 $0x0  }
0x6: {  	[smem:$0x7FF] =	sst s3;
	s7 =	sand.u32 $0x1, s4;
	s9 =	smul.u32 $0x2800, s2  }
0x7: {  	s4 =	sadd.s32 $0x5F000, s5;
	s12 =	sadd.s32 $0xC000, s5;
	s14 =	smul.u32 $0x50000, s2  }
0x8: {  	s31 =	sshll.u32 s2, $0x6;
	_ =	strace $0x8000004A;
	s8 =	sshll.u32 s7, $0x4  }
0x9: {  	s10 =	smul.u32 $0x28000, s7;
	s11 =	ssub.s32 $0x2, s7;
	p0 =	seq.s32 s7, $0x1  }
0xa: {  	s8 =	sor.u32 s2, s8;
	s13 =	sshrl.u32 s11, $0x1;
	s29 =	sshrl.u32 s14, $0x2  }
0xb: {  	s7 =	sadd.s32 s4, s9;
	s14 =	simm.s32 $0x80;
	s8 =	smul.u32 $0x500, s8  }
0xc: {  	s10 =	sadd.s32 s9, s10;
	s11 =	ssub.s32 s11, s13;
	s30 =	sadd.s32 s29, s1  }
0xd: {  	s7 =	smov.u32 @p0 s12;
	s12 =	sor.u32 $0x1C02, s31;
	s10 =	sadd.s32 s10, s5  }
0xe: {  	s9 =	smax.u32 s11, $0x1;
	s11 =	simm.s32 $0x2800;
	s13 =	sshrl.u32 s30, $0x3  }
0xf: {  	s15 =	sadd.s32 s8, s5;
	s5 =	sadd.s32 s6, s8;
	s8 =	sadd.s32 $0x87000, s10  }
0x10: {  	s10 =	simm.s32 $0x2;
	s6 =	sadd.s32 $0x2000, s15;
	s15 =	simm.s32 $0x5000  }
.LBB2_1:
0x11: {  	[tilespmem:s3], [sflag:$0x2] =	stream.linear.gather [hbm4b:s5+s3], $0x2800, $0x38;
	[tilespmem:$0x1D000] =	vst v63  }
0x12: {  	_ =	swait.ge [sflag:s10], $0x2800  }
0x13: {  	[sflag:s10] =	ssyncset.done $0x0  }
0x14: {  	[sflag:s10] =	ssyncadd.s32 $0xFFFFD800  }
0x15: {  	[tilespmem:s11], [sflag:$0x2] =	stream.linear.gather [hbm4b:s6+s3], $0x2800, $0x38;
	[tilespmem:$0x1D000] =	vst v63  }
0x16: {  	_ =	swait.ge [sflag:s10], $0x2800  }
0x17: {  	[sflag:s10] =	ssyncset.done $0x0  }
0x18: {  	[sflag:s10] =	ssyncadd.s32 $0xFFFFD800  }
0x19: {  	[spmem:s13], [sflag:s12] =	dma.local [hbm:s7], $0x2800  }
0x1a: {  	_ =	swait.ge [sflag:s10], $0x2800  }
0x1b: {  	[sflag:s10] =	ssyncset.done $0x0  }
0x1c: {  	[sflag:s10] =	ssyncadd.s32 $0xFFFFD800  }
0x1d: {  	s18 =	simm.s32 $0x0;
	[bflag:$0x0] =	sbarrier.arrive $0xFFFF  }
0x1e: {  	[tilespmem:s15], [sflag:$0x1] =	stream.indirect.gather [hbm4b:s4+s14], $0x80, s18, s14, $0xb8;
	[tilespmem:$0x1D000] =	vst v63  }
0x1f: {  	_ =	swait.ge [sflag:s16], $0x4000  }
0x20: {  	[sflag:s16] =	ssyncset.done $0x0  }
0x21: {  	s31 =	simm.s32 $0x2800;
	[sflag:s16] =	ssyncadd.s32 $0xFFFFC000  }
0x22: {  	[spmem:s1] =	stream.indirect.scatter.add.f32 [tilespmem:s15], [sflag:$0x2], $0x80, s31, s14, $0xb8;
	[tilespmem:$0x1D000] =	vst v63  }
0x23: {  	_ =	swait.ge [sflag:s10], $0x4000  }
0x24: {  	s19 =	simm.s32 $0x400;
	s18 =	simm.s32 $0x200;
	[sflag:s10] =	ssyncset.done $0x0  }
.LBB2_2:
0x25: {  	s20 =	sshra.s32 s18, $0x2  }
0x26: {  	[sflag:s10] =	ssyncadd.s32 $0xFFFFC000;
	s18 =	smov.u32 s19;
	s21 =	sadd.s32 $0x200, s19  }
0x27: {  	[tilespmem:s15], [sflag:$0x1] =	stream.indirect.gather [hbm4b:s4+s14], $0x80, s20, s14, $0xb8;
	[tilespmem:$0x1D000] =	vst v63  }
0x28: {  	p0 =	sne.s32 s19, $0x9E00;
	_ =	swait.ge [sflag:s16], $0x4000  }
.Ltmp0:
0x29: {  	[sflag:s16] =	ssyncset.done $0x0;
	(pc) =	sbr.rel @p0 .LBB2_2-.Ltmp0, $4  }
0x2a: {  	s19 =	sadd.s32 $0x2800, s20;
	[sflag:s16] =	ssyncadd.s32 $0xFFFFC000  }
0x2b: {  	[spmem:s1] =	stream.indirect.scatter.add.f32 [tilespmem:s15], [sflag:$0x2], $0x80, s19, s14, $0xb8;
	[tilespmem:$0x1D000] =	vst v63  }
0x2c: {  	_ =	swait.ge [sflag:s10], $0x4000  }
0x2d: {  	s19 =	smov.u32 s21;
	[sflag:s10] =	ssyncset.done $0x0  }
0x2e: {  	s18 =	sshra.s32 s18, $0x2;
	[sflag:s10] =	ssyncadd.s32 $0xFFFFC000  }
0x2f: {  	[tilespmem:s15], [sflag:$0x1] =	stream.indirect.gather [hbm4b:s4+s14], $0x80, s18, s14, $0xb8;
	[tilespmem:$0x1D000] =	vst v63  }
0x30: {  	_ =	swait.ge [sflag:s16], $0x4000  }
0x31: {  	[sflag:s16] =	ssyncset.done $0x0  }
0x32: {  	s18 =	sadd.s32 $0x2800, s18;
	[sflag:s16] =	ssyncadd.s32 $0xFFFFC000  }
0x33: {  	[spmem:s1] =	stream.indirect.scatter.add.f32 [tilespmem:s15], [sflag:$0x2], $0x80, s18, s14, $0xb8;
	[tilespmem:$0x1D000] =	vst v63  }
0x34: {  	_ =	swait.ge [sflag:s10], $0x4000  }
0x35: {  	s17 =	sadd.s32 $0x1, s17;
	[sflag:s10] =	ssyncset.done $0x0  }
0x36: {  	p0 =	sne.s32 s17, s9;
	[sflag:s10] =	ssyncadd.s32 $0xFFFFC000  }
.Ltmp1:
0x37: {  	[bflag:$0x0] =	sbarrier.arrive $0xFFFF;
	(pc) =	sbr.rel @p0 .LBB2_1-.Ltmp1, $4  }
0x38: {  	[hbm:s8], [sflag:s12] =	dma.local [spmem:s13], $0x2800  }
0x39: {  	_ =	swait.ge [sflag:s10], $0x2800  }
0x3a: {  	[sflag:s10] =	ssyncset.done $0x0  }
0x3b: {  	[sflag:s10] =	ssyncadd.s32 $0xFFFFD800  }
0x3c: {  	_ =	sfence.sel $0x180000  }
0x3d: {  	[bflag:$0x0] =	sbarrier.arrive $0xFFFF  }
0x3e: {  	p0 =	sne.s32 s2, $0x0;
	_ =	strace $0x9000004A  }
0x3f: {  	s0 =	sadd.s32 @!p0 $0x100000, s0;
	[bflag:$0x2] =	sbarrier.arrive $0xFFFF  }
0x40: {  	[sflag:s0] =	ssyncadd.tile.s32 @!p0 $0x1;
	_ =	shalt  }
.Lfunc_end2:
_tile_overlayer_lowered:
.L_overlay_start_2:
0x41: {  	(tag) =	ssettag $0x2  }
0x42: {  	s0 =	rddreg [dreg:$0x0];
	s2 =	stileid.u32  }
0x43: {  	s1 =	rddreg [dreg:$0x1];
	p0 =	sne.s32 s2, $0x0  }
0x44: {  	s3 =	rddreg [dreg:$0x2];
	[bflag:$0x3] =	sbarrier.arrive $0xFFFF;
	s2 =	simm.s32 @!p0 $0x1C02  }
0x45: {  	[timem:s3], [sflag:s2] =	dma.local @!p0 [hbm:s0], s1  }
0x46: {  	s0 =	simm.s32 @!p0 $0x2  }
0x47: {  	_ =	swait.ge @!p0 [sflag:s0], s1  }
0x48: {  	s1 =	ssub.s32 @!p0 $0x0, s1;
	[sflag:s0] =	ssyncset.done @!p0 $0x0  }
0x49: {  	[sflag:s0] =	ssyncadd.s32 @!p0 s1  }
0x4a: {  	[bflag:$0x3] =	sbarrier.arrive $0xFFFF  }
0x4b: {  	_ =	shalt  }

// kernel: kernel.14.cloned.1.call-start
scs
__scs_entry_jumppad:
0x0: {  	(pc) =	sbr.rel $0x88, $3  }
0x1: {  	(tag) =	ssettag $0x0;
	lr =	simm.s32 $0x1  }
0x2: {  	[smem:$0x3F9B] =	sst lr;
	_ =	strace $0xD0000000  }
0x3: {  	_ = 	snop  }
0x4: {  	_ = 	snop  }
0x5: {  	_ = 	snop  }
0x6: {  	_ = 	snop  }
0x7: {  	_ = 	snop  }
__scs_overlays_trampoline_lowered:
0x8: {  	[smem:$0x3FAA] =	sst s0  }
0x9: {  	[smem:$0x3FAB] =	sst s1  }
0xa: {  	[smem:$0x3FAC] =	sst s2  }
0xb: {  	[smem:$0x3FAD] =	sst s3  }
0xc: {  	[smem:$0x3FAE] =	sst s4  }
0xd: {  	[smem:$0x3FAF] =	sst s5  }
0xe: {  	[smem:$0x3FB0] =	sst s6  }
0xf: {  	[smem:$0x3FB1] =	sst s7  }
0x10: {  	[smem:$0x3FB2] =	sst s8  }
0x11: {  	[smem:$0x3FB3] =	sst s9;
	s0 =	simm.s32 @!p0 $0x0  }
0x12: {  	s1 =	sld [smem:$0x3F99];
	s0 =	simm.s32 @p0 $0x1  }
0x13: {  	[smem:$0x3FB4] =	sst s0;
	s0 =	simm.s32 @!p1 $0x0  }
0x14: {  	s2 =	sld [smem:$0x3F98];
	s0 =	simm.s32 @p1 $0x1  }
0x15: {  	[smem:$0x3FB5] =	sst s0;
	s0 =	simm.s32 @!p2 $0x0  }
0x16: {  	s3 =	sld [smem:$0x3FDB];
	s0 =	simm.s32 @p2 $0x1  }
0x17: {  	s4 =	simm.s32 $0x1BF5;
	[smem:$0x3FB7] =	sst s0  }
0x18: {  	s0 =	sld [smem:$0x3F9A];
	_ =	swait.ge [sflag:s4], $0x0  }
0x19: {  	s7 =	sld [smem:$0x3F9B]  }
0x1a: {  	s8 =	sadd.s32 $0xFFFFE003, lr  }
0x1b: {  	s9 =	sadd.s32 $0xFFFFFEF7, lr;
	s5 =	simm.s32 $0xFFFFFFFF;
	p2 =	slt.u32 s8, $0xFFFFF086  }
0x1c: {  	p1 =	slt.u32 s9, $0xF7A;
	s5 =	simm.s32 @!p2 $0x0  }
0x1d: {  	s5 =	simm.s32 @p1 $0x1;
	p0 =	seq.s32 s7, s2  }
0x1e: {  	s7 =	smul.u32 @!p0 $0xF7A, s2;
	p2 =	seq.s32 @!p0 s5, $0x0  }
0x1f: {  	s9 =	smul.u32 $0xF7A, s1;
	s8 =	simm.s32 @!p0 $0x1BF5;
	p2 =	por !p2, p0  }
0x20: {  	[sflag:s8] =	ssyncset.s32 @!p0 $0xFFFFF086;
	s6 =	sadd.s32 @!p0 s3, s7;
	s7 =	simm.s32 @!p0 $0x108  }
0x21: {  	s3 =	sadd.s32 s3, s9;
	s6 =	sadd.s32 @!p0 $0x88, s6;
	s7 =	simm.s32 @p2 $0x1082  }
0x22: {  	[simem:s7], [sflag:s8] =	dma.local @!p0 [hbm:s6], $0xF7A  }
0x23: {  	s9 =	sor.u32 $0xD0000000, s2;
	s6 =	simm.s32 $0x108;
	_ =	swait.ge @!p0 [sflag:s8], $0x0  }
0x24: {  	s3 =	sadd.s32 $0x88, s3;
	s6 =	simm.s32 @!p1 $0x1082;
	[sflag:s4] =	ssyncset.s32 $0xFFFFF086  }
0x25: {  	[simem:s6], [sflag:s4] =	dma.local [hbm:s3], $0xF7A  }
0x26: {  	[smem:$0x3F9B] =	sst s1;
	(tag) =	ssettag s2;
	_ =	strace s9  }
0x27: {  	s1 =	sld [smem:$0x3FAB]  }
0x28: {  	s2 =	sld [smem:$0x3FAC]  }
0x29: {  	s4 =	sld [smem:$0x3FAE]  }
0x2a: {  	p0 =	seq.s32 s5, $0x0;
	s5 =	sld [smem:$0x3FAF]  }
0x2b: {  	s6 =	sld [smem:$0x3FB0]  }
0x2c: {  	s7 =	sld [smem:$0x3FB1]  }
0x2d: {  	s3 =	simm.s32 $0x108;
	s8 =	sld [smem:$0x3FB2]  }
0x2e: {  	s3 =	simm.s32 @!p0 $0x1082;
	s9 =	sld [smem:$0x3FB3]  }
0x2f: {  	lr =	sadd.s32 s0, s3;
	s0 =	sld [smem:$0x3FAA]  }
0x30: {  	s3 =	sld [smem:$0x3FAD]  }
0x31: {  	[smem:$0x3FB6] =	sst s10  }
0x32: {  	s10 =	sld [smem:$0x3FB4];
	_ =	sdelay $0x3  }
0x33: {  	p0 =	seq.s32 s10, $0x1;
	s10 =	sld [smem:$0x3FB6];
	_ =	sdelay $0x3  }
0x34: {  	[smem:$0x3FB6] =	sst s10  }
0x35: {  	s10 =	sld [smem:$0x3FB5];
	_ =	sdelay $0x3  }
0x36: {  	p1 =	seq.s32 s10, $0x1;
	s10 =	sld [smem:$0x3FB6];
	_ =	sdelay $0x3  }
0x37: {  	[smem:$0x3FB6] =	sst s10  }
0x38: {  	s10 =	sld [smem:$0x3FB7]  }
0x39: {  	_ = 	snop;
	(pc) =	sbr.ind lr, $3  }
0x3a: {  	_ = 	snop  }
0x3b: {  	_ = 	snop  }
0x3c: {  	p2 =	seq.s32 s10, $0x1;
	s10 =	sld [smem:$0x3FB6]  }
0x3d: {  	_ =	shalt  }
0x3e: {  	_ =	shalt  }
0x3f: {  	_ =	shalt  }
0x40: {  	_ =	shalt  }
0x41: {  	_ =	shalt  }
0x42: {  	_ =	shalt  }
0x43: {  	_ =	shalt  }
0x44: {  	_ =	shalt  }
0x45: {  	_ =	shalt  }
0x46: {  	_ =	shalt  }
0x47: {  	_ =	shalt  }
0x48: {  	_ =	shalt  }
0x49: {  	_ =	shalt  }
0x4a: {  	_ =	shalt  }
0x4b: {  	_ =	shalt  }
0x4c: {  	_ =	shalt  }
0x4d: {  	_ =	shalt  }
0x4e: {  	_ =	shalt  }
0x4f: {  	_ =	shalt  }
0x50: {  	_ =	shalt  }
0x51: {  	_ =	shalt  }
0x52: {  	_ =	shalt  }
0x53: {  	_ =	shalt  }
0x54: {  	_ =	shalt  }
0x55: {  	_ =	shalt  }
0x56: {  	_ =	shalt  }
0x57: {  	_ =	shalt  }
0x58: {  	_ =	shalt  }
0x59: {  	_ =	shalt  }
0x5a: {  	_ =	shalt  }
0x5b: {  	_ =	shalt  }
0x5c: {  	_ =	shalt  }
0x5d: {  	_ =	shalt  }
0x5e: {  	_ =	shalt  }
0x5f: {  	_ =	shalt  }
0x60: {  	_ =	shalt  }
0x61: {  	_ =	shalt  }
0x62: {  	_ =	shalt  }
0x63: {  	_ =	shalt  }
0x64: {  	_ =	shalt  }
0x65: {  	_ =	shalt  }
0x66: {  	_ =	shalt  }
0x67: {  	_ =	shalt  }
0x68: {  	_ =	shalt  }
0x69: {  	_ =	shalt  }
0x6a: {  	_ =	shalt  }
0x6b: {  	_ =	shalt  }
0x6c: {  	_ =	shalt  }
0x6d: {  	_ =	shalt  }
0x6e: {  	_ =	shalt  }
0x6f: {  	_ =	shalt  }
0x70: {  	_ =	shalt  }
0x71: {  	_ =	shalt  }
0x72: {  	_ =	shalt  }
0x73: {  	_ =	shalt  }
0x74: {  	_ =	shalt  }
0x75: {  	_ =	shalt  }
0x76: {  	_ =	shalt  }
0x77: {  	_ =	shalt  }
0x78: {  	_ =	shalt  }
0x79: {  	_ =	shalt  }
0x7a: {  	_ =	shalt  }
0x7b: {  	_ =	shalt  }
0x7c: {  	_ =	shalt  }
0x7d: {  	_ =	shalt  }
0x7e: {  	_ =	shalt  }
0x7f: {  	_ =	shalt  }
0x80: {  	_ =	shalt  }
0x81: {  	_ =	shalt  }
0x82: {  	_ =	shalt  }
0x83: {  	_ =	shalt  }
0x84: {  	_ =	shalt  }
0x85: {  	_ =	shalt  }
0x86: {  	_ =	shalt  }
0x87: {  	_ =	shalt  }
.Lfunc_end0:
.L_simem_size_0:
called_computation.2_lowered:
.L_overlay_start_0:
0x88: {  	s2 =	sld [smem:$0x3FD9]  }
0x89: {  	s3 =	sld [smem:$0x3FFE];
	_ =	sdelay $0x1  }
0x8a: {  	s1 =	srdreg.scid  }
0x8b: {  	s0 =	sand.u32 $0x1, s1  }
0x8c: {  	s17 =	sshll.u32 s0, $0xA;
	s2 =	sadd.s32 s3, s2  }
0x8d: {  	s2 =	sadd.s32 s2, s17  }
0x8e: {  	[smem:$0x3FC2] =	sst s2  }
0x8f: {  	_ = 	snop  }
0x90: {  	s2 =	sld [smem:$0x3FD0];
	(tm) =	ssettm $0x1  }
0x91: {  	s18 =	sld [smem:$0x3FFB];
	_ =	sdelay $0x3  }
0x92: {  	_ =	strace s18  }
0x93: {  	s3 =	sld [smem:$0x3FFC];
	_ =	sdelay $0x3  }
0x94: {  	_ =	strace s3  }
0x95: {  	s3 =	sld [smem:$0x3FFD];
	_ =	sdelay $0x3  }
0x96: {  	_ =	strace s3  }
0x97: {  	_ =	strace $0x8FFFFFFF  }
0x98: {  	s19 =	sld [smem:$0x3FDB];
	_ =	sdelay $0x1  }
0x99: {  	s4 =	simm.s32 $_scs_section_size  }
0x9a: {  	s5 =	simm.s32 $_size__tile_overlayer_lowered;
	s6 =	simm.s32 $_tile_overlayer_lowered  }
0x9b: {  	s22 =	simm.s32 $0x1BFF;
	s21 =	sshll.u32 s6, $0x1;
	s3 =	sadd.s32 s4, s19  }
0x9c: {  	s7 =	simm.s32 $0x0;
	s20 =	sshll.u32 s5, $0x1;
	s5 =	sadd.s32 s21, s3  }
0x9d: {  	[timem:s7], [sflag:s22] =	dma.local [hbm:s5], s20  }
0x9e: {  	_ =	swait.ge [sflag:s22], s20  }
0x9f: {  	s4 =	ssub.s32 $0x0, s20;
	[sflag:s22] =	ssyncset.done $0x0  }
0xa0: {  	[sflag:s22] =	ssyncadd.s32 s4;
	_ =	sdelay $0x1  }
0xa1: {  	s23 =	simm.s32 $0x1B8B  }
0xa2: {  	_ =	swait.ge [sflag:s23], $0x1  }
0xa3: {  	[sflag:s23] =	ssyncset.done $0x0  }
0xa4: {  	s25 =	simm.s32 $0x1B8E;
	s24 =	sld [smem:$0x3FFE];
	[sflag:s23] =	ssyncadd.s32 $0xFFFFFFFF  }
0xa5: {  	s26 =	simm.s32 $execute0_lowered;
	[smem:$0x3FD2] =	sst s25  }
0xa6: {  	s5 =	sshll.u32 s26, $0x1;
	_ =	strace $0x8000004C;
	[dreg:$0x1] =	wrdreg $0xFFFFFFFF  }
0xa7: {  	s28 =	simm.s32 $_size_execute0_lowered;
	s3 =	sadd.s32 s3, s5;
	[dreg:$0x0] =	wrdreg $0x0  }
0xa8: {  	s5 =	sshll.u32 s28, $0x1;
	[dreg:$0x2] =	wrdreg s3  }
0xa9: {  	[dreg:$0x3] =	wrdreg s5  }
0xaa: {  	[dreg:$0x4] =	wrdreg $0xC0  }
0xab: {  	_ =	task [dreg:s7], $0x5FFFF  }
0xac: {  	[dreg:$0x1] =	wrdreg $0xFFFFFFFF  }
0xad: {  	[dreg:$0x0] =	wrdreg $0x60  }
0xae: {  	[dreg:$0x2] =	wrdreg s24  }
0xaf: {  	[dreg:$0x3] =	wrdreg s2  }
0xb0: {  	[dreg:$0x4] =	wrdreg $0x90000  }
0xb1: {  	[dreg:$0x5] =	wrdreg $0x9  }
0xb2: {  	_ =	task.clear_ibuf [dreg:s7], $0x6FFFF;
	_ =	strace $0x9000004C  }
0xb3: {  	s29 =	simm.s32 $0x9;
	_ =	strace $0x8000004E  }
0xb4: {  	_ =	swait.ge [sflag:s29], $0x1  }
0xb5: {  	[sflag:s29] =	ssyncadd.s32 $0xFFFFFFFF  }
0xb6: {  	_ =	strace $0x9000004E  }
0xb7: {  	_ =	sfence  }
0xb8: {  	s30 =	sld [smem:$0x0];
	_ =	sdelay $0x2  }
0xb9: {  	s31 =	sshll.u32 s1, $0xD;
	s1 =	sshrl.u32 s1, $0x2  }
0xba: {  	s3 =	sand.u32 $0x4000, s31;
	s1 =	sadd.s32 s1, s30  }
0xbb: {  	s0 =	sor.u32 s3, s0;
	s1 =	sshll.u32 s1, $0x11  }
0xbc: {  	s0 =	sor.u32 s1, s0  }
0xbd: {  	s0 =	sadd.s32 $0x8F2B, s0  }
0xbe: {  	[sflag:s0] =	ssyncadd.remote.s32 $0x1  }
0xbf: {  	_ =	sfence.sel $0xFFFF  }
0xc0: {  	[dreg:$0x0] =	wrdreg $0xFFFFFFFF;
	(pc) =	sbr.abs _section_cstart, $3  }
0xc1: {  	[dreg:$0x1] =	wrdreg $0xFFFFFFFF  }
0xc2: {  	_ =	task.clear_ibuf [dreg:s7], $0x2FFFF;
	_ =	strace $0x9FFFFFFF  }
0xc3: {  	(tm) =	ssettm $0x7FFFFFFF  }
tec
execute0_lowered:
.L_overlay_start_1:
0x0: {  	(tag) =	ssettag $0x1  }
0x1: {  	s5 =	rddreg [dreg:$0x0]  }
0x2: {  	s6 =	rddreg [dreg:$0x1]  }
0x3: {  	s1 =	rddreg [dreg:$0x2]  }
0x4: {  	s0 =	rddreg [dreg:$0x3];
	s3 =	simm.s32 $0x0;
	s4 =	srdreg.scid  }
0x5: {  	s2 =	stileid.u32;
	s16 =	simm.s32 $0x1;
	s17 =	simm.s32 $0x0  }
0x6: {  	[smem:$0x7FF] =	sst s3;
	s7 =	sand.u32 $0x1, s4;
	s9 =	smul.u32 $0x2800, s2  }
0x7: {  	s4 =	sadd.s32 $0x5F000, s5;
	s12 =	sadd.s32 $0xC000, s5;
	s14 =	smul.u32 $0x50000, s2  }
0x8: {  	s31 =	sshll.u32 s2, $0x6;
	_ =	strace $0x8000004D;
	s8 =	sshll.u32 s7, $0x4  }
0x9: {  	s10 =	smul.u32 $0x28000, s7;
	s11 =	ssub.s32 $0x2, s7;
	p0 =	seq.s32 s7, $0x1  }
0xa: {  	s8 =	sor.u32 s2, s8;
	s13 =	sshrl.u32 s11, $0x1;
	s29 =	sshrl.u32 s14, $0x2  }
0xb: {  	s7 =	sadd.s32 s4, s9;
	s14 =	simm.s32 $0x80;
	s8 =	smul.u32 $0x500, s8  }
0xc: {  	s10 =	sadd.s32 s9, s10;
	s11 =	ssub.s32 s11, s13;
	s30 =	sadd.s32 s29, s1  }
0xd: {  	s7 =	smov.u32 @p0 s12;
	s12 =	sor.u32 $0x1C02, s31;
	s10 =	sadd.s32 s10, s5  }
0xe: {  	s9 =	smax.u32 s11, $0x1;
	s11 =	simm.s32 $0x2800;
	s13 =	sshrl.u32 s30, $0x3  }
0xf: {  	s15 =	sadd.s32 s8, s5;
	s5 =	sadd.s32 s6, s8;
	s8 =	sadd.s32 $0x87000, s10  }
0x10: {  	s10 =	simm.s32 $0x2;
	s6 =	sadd.s32 $0x2000, s15;
	s15 =	simm.s32 $0x5000  }
.LBB2_1:
0x11: {  	[tilespmem:s3], [sflag:$0x2] =	stream.linear.gather [hbm4b:s5+s3], $0x2800, $0x38;
	[tilespmem:$0x1D000] =	vst v63  }
0x12: {  	_ =	swait.ge [sflag:s10], $0x2800  }
0x13: {  	[sflag:s10] =	ssyncset.done $0x0  }
0x14: {  	[sflag:s10] =	ssyncadd.s32 $0xFFFFD800  }
0x15: {  	[tilespmem:s11], [sflag:$0x2] =	stream.linear.gather [hbm4b:s6+s3], $0x2800, $0x38;
	[tilespmem:$0x1D000] =	vst v63  }
0x16: {  	_ =	swait.ge [sflag:s10], $0x2800  }
0x17: {  	[sflag:s10] =	ssyncset.done $0x0  }
0x18: {  	[sflag:s10] =	ssyncadd.s32 $0xFFFFD800  }
0x19: {  	[spmem:s13], [sflag:s12] =	dma.local [hbm:s7], $0x2800  }
0x1a: {  	_ =	swait.ge [sflag:s10], $0x2800  }
0x1b: {  	[sflag:s10] =	ssyncset.done $0x0  }
0x1c: {  	[sflag:s10] =	ssyncadd.s32 $0xFFFFD800  }
0x1d: {  	s18 =	simm.s32 $0x0;
	[bflag:$0x0] =	sbarrier.arrive $0xFFFF  }
0x1e: {  	[tilespmem:s15], [sflag:$0x1] =	stream.indirect.gather [hbm4b:s4+s14], $0x80, s18, s14, $0xb8;
	[tilespmem:$0x1D000] =	vst v63  }
0x1f: {  	_ =	swait.ge [sflag:s16], $0x4000  }
0x20: {  	[sflag:s16] =	ssyncset.done $0x0  }
0x21: {  	s31 =	simm.s32 $0x2800;
	[sflag:s16] =	ssyncadd.s32 $0xFFFFC000  }
0x22: {  	[spmem:s1] =	stream.indirect.scatter.add.f32 [tilespmem:s15], [sflag:$0x2], $0x80, s31, s14, $0xb8;
	[tilespmem:$0x1D000] =	vst v63  }
0x23: {  	_ =	swait.ge [sflag:s10], $0x4000  }
0x24: {  	s19 =	simm.s32 $0x400;
	s18 =	simm.s32 $0x200;
	[sflag:s10] =	ssyncset.done $0x0  }
.LBB2_2:
0x25: {  	s20 =	sshra.s32 s18, $0x2  }
0x26: {  	[sflag:s10] =	ssyncadd.s32 $0xFFFFC000;
	s18 =	smov.u32 s19;
	s21 =	sadd.s32 $0x200, s19  }
0x27: {  	[tilespmem:s15], [sflag:$0x1] =	stream.indirect.gather [hbm4b:s4+s14], $0x80, s20, s14, $0xb8;
	[tilespmem:$0x1D000] =	vst v63  }
0x28: {  	p0 =	sne.s32 s19, $0x9E00;
	_ =	swait.ge [sflag:s16], $0x4000  }
.Ltmp0:
0x29: {  	[sflag:s16] =	ssyncset.done $0x0;
	(pc) =	sbr.rel @p0 .LBB2_2-.Ltmp0, $4  }
0x2a: {  	s19 =	sadd.s32 $0x2800, s20;
	[sflag:s16] =	ssyncadd.s32 $0xFFFFC000  }
0x2b: {  	[spmem:s1] =	stream.indirect.scatter.add.f32 [tilespmem:s15], [sflag:$0x2], $0x80, s19, s14, $0xb8;
	[tilespmem:$0x1D000] =	vst v63  }
0x2c: {  	_ =	swait.ge [sflag:s10], $0x4000  }
0x2d: {  	s19 =	smov.u32 s21;
	[sflag:s10] =	ssyncset.done $0x0  }
0x2e: {  	s18 =	sshra.s32 s18, $0x2;
	[sflag:s10] =	ssyncadd.s32 $0xFFFFC000  }
0x2f: {  	[tilespmem:s15], [sflag:$0x1] =	stream.indirect.gather [hbm4b:s4+s14], $0x80, s18, s14, $0xb8;
	[tilespmem:$0x1D000] =	vst v63  }
0x30: {  	_ =	swait.ge [sflag:s16], $0x4000  }
0x31: {  	[sflag:s16] =	ssyncset.done $0x0  }
0x32: {  	s18 =	sadd.s32 $0x2800, s18;
	[sflag:s16] =	ssyncadd.s32 $0xFFFFC000  }
0x33: {  	[spmem:s1] =	stream.indirect.scatter.add.f32 [tilespmem:s15], [sflag:$0x2], $0x80, s18, s14, $0xb8;
	[tilespmem:$0x1D000] =	vst v63  }
0x34: {  	_ =	swait.ge [sflag:s10], $0x4000  }
0x35: {  	s17 =	sadd.s32 $0x1, s17;
	[sflag:s10] =	ssyncset.done $0x0  }
0x36: {  	p0 =	sne.s32 s17, s9;
	[sflag:s10] =	ssyncadd.s32 $0xFFFFC000  }
.Ltmp1:
0x37: {  	[bflag:$0x0] =	sbarrier.arrive $0xFFFF;
	(pc) =	sbr.rel @p0 .LBB2_1-.Ltmp1, $4  }
0x38: {  	[hbm:s8], [sflag:s12] =	dma.local [spmem:s13], $0x2800  }
0x39: {  	_ =	swait.ge [sflag:s10], $0x2800  }
0x3a: {  	[sflag:s10] =	ssyncset.done $0x0  }
0x3b: {  	[sflag:s10] =	ssyncadd.s32 $0xFFFFD800  }
0x3c: {  	_ =	sfence.sel $0x180000  }
0x3d: {  	[bflag:$0x0] =	sbarrier.arrive $0xFFFF  }
0x3e: {  	p0 =	sne.s32 s2, $0x0;
	_ =	strace $0x9000004D  }
0x3f: {  	s0 =	sadd.s32 @!p0 $0x100000, s0;
	[bflag:$0x2] =	sbarrier.arrive $0xFFFF  }
0x40: {  	[sflag:s0] =	ssyncadd.tile.s32 @!p0 $0x1;
	_ =	shalt  }
.Lfunc_end2:
_tile_overlayer_lowered:
.L_overlay_start_2:
0x41: {  	(tag) =	ssettag $0x2  }
0x42: {  	s0 =	rddreg [dreg:$0x0];
	s2 =	stileid.u32  }
0x43: {  	s1 =	rddreg [dreg:$0x1];
	p0 =	sne.s32 s2, $0x0  }
0x44: {  	s3 =	rddreg [dreg:$0x2];
	[bflag:$0x3] =	sbarrier.arrive $0xFFFF;
	s2 =	simm.s32 @!p0 $0x1C02  }
0x45: {  	[timem:s3], [sflag:s2] =	dma.local @!p0 [hbm:s0], s1  }
0x46: {  	s0 =	simm.s32 @!p0 $0x2  }
0x47: {  	_ =	swait.ge @!p0 [sflag:s0], s1  }
0x48: {  	s1 =	ssub.s32 @!p0 $0x0, s1;
	[sflag:s0] =	ssyncset.done @!p0 $0x0  }
0x49: {  	[sflag:s0] =	ssyncadd.s32 @!p0 s1  }
0x4a: {  	[bflag:$0x3] =	sbarrier.arrive $0xFFFF  }
0x4b: {  	_ =	shalt  }

// kernel: kernel.8.cloned.1.call-start
scs
__scs_entry_jumppad:
0x0: {  	(pc) =	sbr.rel $0x88, $3  }
0x1: {  	(tag) =	ssettag $0x0;
	lr =	simm.s32 $0x1  }
0x2: {  	[smem:$0x3F9B] =	sst lr;
	_ =	strace $0xD0000000  }
0x3: {  	_ = 	snop  }
0x4: {  	_ = 	snop  }
0x5: {  	_ = 	snop  }
0x6: {  	_ = 	snop  }
0x7: {  	_ = 	snop  }
__scs_overlays_trampoline_lowered:
0x8: {  	[smem:$0x3FAA] =	sst s0  }
0x9: {  	[smem:$0x3FAB] =	sst s1  }
0xa: {  	[smem:$0x3FAC] =	sst s2  }
0xb: {  	[smem:$0x3FAD] =	sst s3  }
0xc: {  	[smem:$0x3FAE] =	sst s4  }
0xd: {  	[smem:$0x3FAF] =	sst s5  }
0xe: {  	[smem:$0x3FB0] =	sst s6  }
0xf: {  	[smem:$0x3FB1] =	sst s7  }
0x10: {  	[smem:$0x3FB2] =	sst s8  }
0x11: {  	[smem:$0x3FB3] =	sst s9;
	s0 =	simm.s32 @!p0 $0x0  }
0x12: {  	s1 =	sld [smem:$0x3F99];
	s0 =	simm.s32 @p0 $0x1  }
0x13: {  	[smem:$0x3FB4] =	sst s0;
	s0 =	simm.s32 @!p1 $0x0  }
0x14: {  	s2 =	sld [smem:$0x3F98];
	s0 =	simm.s32 @p1 $0x1  }
0x15: {  	[smem:$0x3FB5] =	sst s0;
	s0 =	simm.s32 @!p2 $0x0  }
0x16: {  	s3 =	sld [smem:$0x3FDB];
	s0 =	simm.s32 @p2 $0x1  }
0x17: {  	s4 =	simm.s32 $0x1BF5;
	[smem:$0x3FB7] =	sst s0  }
0x18: {  	s0 =	sld [smem:$0x3F9A];
	_ =	swait.ge [sflag:s4], $0x0  }
0x19: {  	s7 =	sld [smem:$0x3F9B]  }
0x1a: {  	s8 =	sadd.s32 $0xFFFFE003, lr  }
0x1b: {  	s9 =	sadd.s32 $0xFFFFFEF7, lr;
	s5 =	simm.s32 $0xFFFFFFFF;
	p2 =	slt.u32 s8, $0xFFFFF086  }
0x1c: {  	p1 =	slt.u32 s9, $0xF7A;
	s5 =	simm.s32 @!p2 $0x0  }
0x1d: {  	s5 =	simm.s32 @p1 $0x1;
	p0 =	seq.s32 s7, s2  }
0x1e: {  	s7 =	smul.u32 @!p0 $0xF7A, s2;
	p2 =	seq.s32 @!p0 s5, $0x0  }
0x1f: {  	s9 =	smul.u32 $0xF7A, s1;
	s8 =	simm.s32 @!p0 $0x1BF5;
	p2 =	por !p2, p0  }
0x20: {  	[sflag:s8] =	ssyncset.s32 @!p0 $0xFFFFF086;
	s6 =	sadd.s32 @!p0 s3, s7;
	s7 =	simm.s32 @!p0 $0x108  }
0x21: {  	s3 =	sadd.s32 s3, s9;
	s6 =	sadd.s32 @!p0 $0x88, s6;
	s7 =	simm.s32 @p2 $0x1082  }
0x22: {  	[simem:s7], [sflag:s8] =	dma.local @!p0 [hbm:s6], $0xF7A  }
0x23: {  	s9 =	sor.u32 $0xD0000000, s2;
	s6 =	simm.s32 $0x108;
	_ =	swait.ge @!p0 [sflag:s8], $0x0  }
0x24: {  	s3 =	sadd.s32 $0x88, s3;
	s6 =	simm.s32 @!p1 $0x1082;
	[sflag:s4] =	ssyncset.s32 $0xFFFFF086  }
0x25: {  	[simem:s6], [sflag:s4] =	dma.local [hbm:s3], $0xF7A  }
0x26: {  	[smem:$0x3F9B] =	sst s1;
	(tag) =	ssettag s2;
	_ =	strace s9  }
0x27: {  	s1 =	sld [smem:$0x3FAB]  }
0x28: {  	s2 =	sld [smem:$0x3FAC]  }
0x29: {  	s4 =	sld [smem:$0x3FAE]  }
0x2a: {  	p0 =	seq.s32 s5, $0x0;
	s5 =	sld [smem:$0x3FAF]  }
0x2b: {  	s6 =	sld [smem:$0x3FB0]  }
0x2c: {  	s7 =	sld [smem:$0x3FB1]  }
0x2d: {  	s3 =	simm.s32 $0x108;
	s8 =	sld [smem:$0x3FB2]  }
0x2e: {  	s3 =	simm.s32 @!p0 $0x1082;
	s9 =	sld [smem:$0x3FB3]  }
0x2f: {  	lr =	sadd.s32 s0, s3;
	s0 =	sld [smem:$0x3FAA]  }
0x30: {  	s3 =	sld [smem:$0x3FAD]  }
0x31: {  	[smem:$0x3FB6] =	sst s10  }
0x32: {  	s10 =	sld [smem:$0x3FB4];
	_ =	sdelay $0x3  }
0x33: {  	p0 =	seq.s32 s10, $0x1;
	s10 =	sld [smem:$0x3FB6];
	_ =	sdelay $0x3  }
0x34: {  	[smem:$0x3FB6] =	sst s10  }
0x35: {  	s10 =	sld [smem:$0x3FB5];
	_ =	sdelay $0x3  }
0x36: {  	p1 =	seq.s32 s10, $0x1;
	s10 =	sld [smem:$0x3FB6];
	_ =	sdelay $0x3  }
0x37: {  	[smem:$0x3FB6] =	sst s10  }
0x38: {  	s10 =	sld [smem:$0x3FB7]  }
0x39: {  	_ = 	snop;
	(pc) =	sbr.ind lr, $3  }
0x3a: {  	_ = 	snop  }
0x3b: {  	_ = 	snop  }
0x3c: {  	p2 =	seq.s32 s10, $0x1;
	s10 =	sld [smem:$0x3FB6]  }
0x3d: {  	_ =	shalt  }
0x3e: {  	_ =	shalt  }
0x3f: {  	_ =	shalt  }
0x40: {  	_ =	shalt  }
0x41: {  	_ =	shalt  }
0x42: {  	_ =	shalt  }
0x43: {  	_ =	shalt  }
0x44: {  	_ =	shalt  }
0x45: {  	_ =	shalt  }
0x46: {  	_ =	shalt  }
0x47: {  	_ =	shalt  }
0x48: {  	_ =	shalt  }
0x49: {  	_ =	shalt  }
0x4a: {  	_ =	shalt  }
0x4b: {  	_ =	shalt  }
0x4c: {  	_ =	shalt  }
0x4d: {  	_ =	shalt  }
0x4e: {  	_ =	shalt  }
0x4f: {  	_ =	shalt  }
0x50: {  	_ =	shalt  }
0x51: {  	_ =	shalt  }
0x52: {  	_ =	shalt  }
0x53: {  	_ =	shalt  }
0x54: {  	_ =	shalt  }
0x55: {  	_ =	shalt  }
0x56: {  	_ =	shalt  }
0x57: {  	_ =	shalt  }
0x58: {  	_ =	shalt  }
0x59: {  	_ =	shalt  }
0x5a: {  	_ =	shalt  }
0x5b: {  	_ =	shalt  }
0x5c: {  	_ =	shalt  }
0x5d: {  	_ =	shalt  }
0x5e: {  	_ =	shalt  }
0x5f: {  	_ =	shalt  }
0x60: {  	_ =	shalt  }
0x61: {  	_ =	shalt  }
0x62: {  	_ =	shalt  }
0x63: {  	_ =	shalt  }
0x64: {  	_ =	shalt  }
0x65: {  	_ =	shalt  }
0x66: {  	_ =	shalt  }
0x67: {  	_ =	shalt  }
0x68: {  	_ =	shalt  }
0x69: {  	_ =	shalt  }
0x6a: {  	_ =	shalt  }
0x6b: {  	_ =	shalt  }
0x6c: {  	_ =	shalt  }
0x6d: {  	_ =	shalt  }
0x6e: {  	_ =	shalt  }
0x6f: {  	_ =	shalt  }
0x70: {  	_ =	shalt  }
0x71: {  	_ =	shalt  }
0x72: {  	_ =	shalt  }
0x73: {  	_ =	shalt  }
0x74: {  	_ =	shalt  }
0x75: {  	_ =	shalt  }
0x76: {  	_ =	shalt  }
0x77: {  	_ =	shalt  }
0x78: {  	_ =	shalt  }
0x79: {  	_ =	shalt  }
0x7a: {  	_ =	shalt  }
0x7b: {  	_ =	shalt  }
0x7c: {  	_ =	shalt  }
0x7d: {  	_ =	shalt  }
0x7e: {  	_ =	shalt  }
0x7f: {  	_ =	shalt  }
0x80: {  	_ =	shalt  }
0x81: {  	_ =	shalt  }
0x82: {  	_ =	shalt  }
0x83: {  	_ =	shalt  }
0x84: {  	_ =	shalt  }
0x85: {  	_ =	shalt  }
0x86: {  	_ =	shalt  }
0x87: {  	_ =	shalt  }
.Lfunc_end0:
.L_simem_size_0:
called_computation_lowered:
.L_overlay_start_0:
0x88: {  	s2 =	sld [smem:$0x3FD9]  }
0x89: {  	s3 =	sld [smem:$0x3FFE];
	_ =	sdelay $0x1  }
0x8a: {  	s1 =	srdreg.scid  }
0x8b: {  	s0 =	sand.u32 $0x1, s1  }
0x8c: {  	s16 =	sshll.u32 s0, $0xA;
	s2 =	sadd.s32 s3, s2  }
0x8d: {  	s2 =	sadd.s32 s2, s16  }
0x8e: {  	[smem:$0x3FC2] =	sst s2  }
0x8f: {  	_ = 	snop  }
0x90: {  	(tm) =	ssettm $0x1  }
0x91: {  	s17 =	sld [smem:$0x3FFB];
	_ =	sdelay $0x3  }
0x92: {  	_ =	strace s17  }
0x93: {  	s2 =	sld [smem:$0x3FFC];
	_ =	sdelay $0x3  }
0x94: {  	_ =	strace s2  }
0x95: {  	s2 =	sld [smem:$0x3FFD];
	_ =	sdelay $0x3  }
0x96: {  	_ =	strace s2  }
0x97: {  	_ =	strace $0x8FFFFFFF  }
0x98: {  	s18 =	sld [smem:$0x3FDB];
	_ =	sdelay $0x1  }
0x99: {  	s19 =	simm.s32 $_scs_section_size  }
0x9a: {  	s4 =	simm.s32 $_size__tile_overlayer_lowered;
	s5 =	simm.s32 $_tile_overlayer_lowered  }
0x9b: {  	s22 =	simm.s32 $0x1BFF;
	s21 =	sshll.u32 s5, $0x1;
	s2 =	sadd.s32 s19, s18  }
0x9c: {  	s6 =	simm.s32 $0x0;
	s20 =	sshll.u32 s4, $0x1;
	s4 =	sadd.s32 s21, s2  }
0x9d: {  	[timem:s6], [sflag:s22] =	dma.local [hbm:s4], s20  }
0x9e: {  	_ =	swait.ge [sflag:s22], s20  }
0x9f: {  	s3 =	ssub.s32 $0x0, s20;
	[sflag:s22] =	ssyncset.done $0x0  }
0xa0: {  	[sflag:s22] =	ssyncadd.s32 s3;
	_ =	sdelay $0x1  }
0xa1: {  	s23 =	simm.s32 $0x1B8B  }
0xa2: {  	_ =	swait.ge [sflag:s23], $0x1  }
0xa3: {  	[sflag:s23] =	ssyncset.done $0x0  }
0xa4: {  	s25 =	simm.s32 $0x1B8E;
	s24 =	sld [smem:$0x3FFE];
	[sflag:s23] =	ssyncadd.s32 $0xFFFFFFFF  }
0xa5: {  	s26 =	simm.s32 $execute0_lowered;
	[smem:$0x3FD2] =	sst s25  }
0xa6: {  	s4 =	sshll.u32 s26, $0x1;
	_ =	strace $0x80000046;
	[dreg:$0x1] =	wrdreg $0xFFFFFFFF  }
0xa7: {  	s28 =	simm.s32 $_size_execute0_lowered;
	s2 =	sadd.s32 s2, s4;
	[dreg:$0x0] =	wrdreg $0x0  }
0xa8: {  	s4 =	sshll.u32 s28, $0x1;
	[dreg:$0x2] =	wrdreg s2  }
0xa9: {  	[dreg:$0x3] =	wrdreg s4  }
0xaa: {  	[dreg:$0x4] =	wrdreg $0xC0  }
0xab: {  	_ =	task [dreg:s6], $0x5FFFF  }
0xac: {  	[dreg:$0x1] =	wrdreg $0xFFFFFFFF  }
0xad: {  	[dreg:$0x0] =	wrdreg $0x60  }
0xae: {  	[dreg:$0x2] =	wrdreg s24  }
0xaf: {  	[dreg:$0x3] =	wrdreg $0x68000  }
0xb0: {  	[dreg:$0x4] =	wrdreg $0x9  }
0xb1: {  	_ =	task.clear_ibuf [dreg:s6], $0x5FFFF;
	_ =	strace $0x90000046  }
0xb2: {  	s29 =	simm.s32 $0x9;
	_ =	strace $0x80000048  }
0xb3: {  	_ =	swait.ge [sflag:s29], $0x1  }
0xb4: {  	[sflag:s29] =	ssyncadd.s32 $0xFFFFFFFF  }
0xb5: {  	_ =	strace $0x90000048  }
0xb6: {  	_ =	sfence  }
0xb7: {  	s30 =	sld [smem:$0x0];
	_ =	sdelay $0x2  }
0xb8: {  	s31 =	sshll.u32 s1, $0xD;
	s1 =	sshrl.u32 s1, $0x2  }
0xb9: {  	s3 =	sand.u32 $0x4000, s31;
	s1 =	sadd.s32 s1, s30  }
0xba: {  	s0 =	sor.u32 s3, s0;
	s1 =	sshll.u32 s1, $0x11  }
0xbb: {  	s0 =	sor.u32 s1, s0  }
0xbc: {  	s0 =	sadd.s32 $0x8F2B, s0  }
0xbd: {  	[sflag:s0] =	ssyncadd.remote.s32 $0x1  }
0xbe: {  	_ =	sfence.sel $0xFFFF  }
0xbf: {  	[dreg:$0x0] =	wrdreg $0xFFFFFFFF;
	(pc) =	sbr.abs _section_cstart, $3  }
0xc0: {  	[dreg:$0x1] =	wrdreg $0xFFFFFFFF  }
0xc1: {  	_ =	task.clear_ibuf [dreg:s6], $0x2FFFF;
	_ =	strace $0x9FFFFFFF  }
0xc2: {  	(tm) =	ssettm $0x7FFFFFFF  }
0xc3: {  	_ =	shalt  }
tec
execute0_lowered:
.L_overlay_start_1:
0x0: {  	(tag) =	ssettag $0x1  }
0x1: {  	s0 =	srdreg.scid;
	s7 =	rddreg [dreg:$0x0]  }
0x2: {  	s2 =	rddreg [dreg:$0x1];
	s6 =	sand.u32 $0x1, s0;
	s0 =	stileid.u32  }
0x3: {  	s3 =	simm.s32 $0x0;
	s13 =	simm.s32 $0x80;
	s8 =	smul.u32 $0x2800, s0  }
0x4: {  	s14 =	simm.s32 $0x0;
	[smem:$0x7FF] =	sst s3;
	s9 =	smul.u32 $0x28000, s6  }
0x5: {  	s5 =	sadd.s32 $0xC000, s7;
	s1 =	sshll.u32 s6, $0x4;
	s11 =	smul.u32 $0x50000, s0  }
0x6: {  	s6 =	ssub.s32 $0x2, s6;
	s31 =	sshll.u32 s0, $0x6;
	s4 =	sor.u32 s0, s1  }
0x7: {  	s1 =	rddreg [dreg:$0x2];
	_ =	strace $0x80000047;
	s29 =	sshrl.u32 s6, $0x1  }
0x8: {  	s4 =	smul.u32 $0x500, s4;
	s8 =	sadd.s32 s8, s9;
	s30 =	sshrl.u32 s11, $0x2  }
0x9: {  	s9 =	simm.s32 $0x1;
	s11 =	sor.u32 $0x1C01, s31;
	s12 =	sadd.s32 s30, s2  }
0xa: {  	s10 =	sadd.s32 s4, s7;
	s4 =	sadd.s32 $0xE800, s7;
	s7 =	sadd.s32 s8, s7  }
0xb: {  	s8 =	ssub.s32 s6, s29;
	s12 =	sshrl.u32 s12, $0x3;
	s6 =	sadd.s32 $0x2000, s10  }
0xc: {  	s7 =	sadd.s32 $0xF000, s7;
	s8 =	smax.u32 s8, $0x1;
	s10 =	simm.s32 $0x2800  }
.LBB2_1:
0xd: {  	[tilespmem:s3], [sflag:$0x1] =	stream.linear.gather [hbm4b:s6+s3], $0x2800, $0x38;
	[tilespmem:$0x1A800] =	vst v63  }
0xe: {  	_ =	swait.ge [sflag:s9], $0x2800  }
0xf: {  	[sflag:s9] =	ssyncset.done $0x0  }
0x10: {  	[sflag:s9] =	ssyncadd.s32 $0xFFFFD800  }
0x11: {  	[tilespmem:s10], [sflag:$0x1] =	stream.linear.gather [hbm4b:s4+s3], $0x4000, $0x38;
	[tilespmem:$0x1A800] =	vst v63  }
0x12: {  	_ =	swait.ge [sflag:s9], $0x4000  }
0x13: {  	[sflag:s9] =	ssyncset.done $0x0  }
0x14: {  	[sflag:s9] =	ssyncadd.s32 $0xFFFFC000  }
0x15: {  	[spmem:s12], [sflag:s11] =	dma.local [hbm:s5], $0x2800  }
0x16: {  	_ =	swait.ge [sflag:s9], $0x2800  }
0x17: {  	[sflag:s9] =	ssyncset.done $0x0  }
0x18: {  	[sflag:s9] =	ssyncadd.s32 $0xFFFFD800  }
0x19: {  	s15 =	simm.s32 $0x0;
	[bflag:$0x0] =	sbarrier.arrive $0xFFFF  }
0x1a: {  	[spmem:s2] =	stream.indirect.scatter.add.f32 [tilespmem:s10], [sflag:$0x1], $0x80, s15, s13, $0xb8;
	[tilespmem:$0x1A800] =	vst v63  }
0x1b: {  	_ =	swait.ge [sflag:s9], $0x4000  }
0x1c: {  	s15 =	simm.s32 $0x200;
	[sflag:s9] =	ssyncset.done $0x0  }
.LBB2_2:
0x1d: {  	s16 =	sshra.s32 s15, $0x2;
	[sflag:s9] =	ssyncadd.s32 $0xFFFFC000;
	p0 =	sne.s32 s15, $0x9E00  }
0x1e: {  	[spmem:s2] =	stream.indirect.scatter.add.f32 [tilespmem:s10], [sflag:$0x1], $0x80, s16, s13, $0xb8;
	[tilespmem:$0x1A800] =	vst v63  }
.Ltmp0:
0x1f: {  	_ = 	snop;
	(pc) =	sbr.rel @p0 .LBB2_2-.Ltmp0, $4  }
0x20: {  	_ = 	snop  }
0x21: {  	s15 =	sadd.s32 $0x200, s15  }
0x22: {  	_ =	swait.ge [sflag:s9], $0x4000  }
0x23: {  	[sflag:s9] =	ssyncset.done $0x0  }
0x24: {  	s14 =	sadd.s32 $0x1, s14  }
0x25: {  	[sflag:s9] =	ssyncadd.s32 $0xFFFFC000;
	p0 =	sne.s32 s14, s8  }
.Ltmp1:
0x26: {  	[bflag:$0x0] =	sbarrier.arrive $0xFFFF;
	(pc) =	sbr.rel @p0 .LBB2_1-.Ltmp1, $4  }
0x27: {  	[hbm:s7], [sflag:s11] =	dma.local [spmem:s12], $0x2800  }
0x28: {  	_ =	swait.ge [sflag:s9], $0x2800  }
0x29: {  	[sflag:s9] =	ssyncset.done $0x0  }
0x2a: {  	[sflag:s9] =	ssyncadd.s32 $0xFFFFD800  }
0x2b: {  	_ =	sfence.sel $0x180000  }
0x2c: {  	[bflag:$0x0] =	sbarrier.arrive $0xFFFF  }
0x2d: {  	p0 =	sne.s32 s0, $0x0;
	_ =	strace $0x90000047  }
0x2e: {  	s0 =	sadd.s32 @!p0 $0x100000, s1;
	[bflag:$0x2] =	sbarrier.arrive $0xFFFF  }
0x2f: {  	[sflag:s0] =	ssyncadd.tile.s32 @!p0 $0x1;
	_ =	shalt  }
.Lfunc_end2:
_tile_overlayer_lowered:
.L_overlay_start_2:
0x30: {  	(tag) =	ssettag $0x2  }
0x31: {  	s0 =	rddreg [dreg:$0x0];
	s2 =	stileid.u32  }
0x32: {  	s1 =	rddreg [dreg:$0x1];
	p0 =	sne.s32 s2, $0x0  }
0x33: {  	s3 =	rddreg [dreg:$0x2];
	[bflag:$0x3] =	sbarrier.arrive $0xFFFF;
	s2 =	simm.s32 @!p0 $0x1C01  }
0x34: {  	[timem:s3], [sflag:s2] =	dma.local @!p0 [hbm:s0], s1  }
0x35: {  	s0 =	simm.s32 @!p0 $0x1  }
0x36: {  	_ =	swait.ge @!p0 [sflag:s0], s1  }
0x37: {  	s1 =	ssub.s32 @!p0 $0x0, s1;
	[sflag:s0] =	ssyncset.done @!p0 $0x0  }
0x38: {  	[sflag:s0] =	ssyncadd.s32 @!p0 s1  }
0x39: {  	[bflag:$0x3] =	sbarrier.arrive $0xFFFF  }
0x3a: {  	_ =	shalt  }

</sc_bundles>
